<compile_context>
chip_gen: v7x
topology: tpu7x:2x2x1
jax: 0.10.2.dev20260603
libtpu: 0.0.44.dev20260713+nightly
codegen_flags: <defaults>
</compile_context>

<pallas_src>
import functools

import jax
import jax.numpy as jnp
from jax import lax
from jax.experimental import pallas as pl
from jax.experimental.pallas import tpu as pltpu
from jax.experimental.pallas import tpu_sc as plsc

NC = 2
NS = 16
NW = NC * NS
CHUNK = 32
NBUF = 5


def _sc_gather(idx3d, table):
    nw, chunks, chunk = idx3d.shape
    d = table.shape[1]
    total = nw * chunks * chunk
    mesh = plsc.VectorSubcoreMesh(core_axis_name="c", subcore_axis_name="s")

    n_mid = (chunks - NBUF) // NBUF
    assert chunks - NBUF == n_mid * NBUF

    @functools.partial(
        pl.kernel,
        mesh=mesh,
        out_type=jax.ShapeDtypeStruct((total, d), jnp.float32),
        scratch_types=[
            pltpu.VMEM((chunks, chunk), jnp.int32),
            pltpu.VMEM((NBUF, chunk, d), jnp.float32),
        ]
        + [pltpu.SemaphoreType.DMA] * (2 * NBUF),
    )
    def k(idx_hbm, table_hbm, out_hbm, idx_v, rows_v, *sems):
        gsems = sems[:NBUF]
        ssems = sems[NBUF:]
        wid = lax.axis_index("s") * NC + lax.axis_index("c")
        crow = wid * chunks
        pltpu.sync_copy(idx_hbm.at[wid], idx_v)

        def gstart(c, b):
            pltpu.async_copy(table_hbm.at[idx_v.at[c]], rows_v.at[b], gsems[b])

        def gwait(b):
            pltpu.make_async_copy(
                table_hbm.at[idx_v.at[0]], rows_v.at[b], gsems[b]
            ).wait()

        def sstart(c, b):
            pltpu.async_copy(
                rows_v.at[b], out_hbm.at[pl.ds((crow + c) * chunk, chunk)], ssems[b]
            )

        def swait(b):
            pltpu.make_async_copy(
                rows_v.at[b], out_hbm.at[pl.ds(crow * chunk, chunk)], ssems[b]
            ).wait()

        def step(c, b, first, last):
            gwait(b)
            sstart(c, b)
            if not last:
                bn = (b + NBUF - 1) % NBUF
                if not first:
                    swait(bn)
                gstart(c + NBUF - 1, bn)

        for j in range(NBUF - 1):
            gstart(j, j)
        step(0, 0, first=True, last=False)

        def mid_group(g, carry):
            base = 1 + g * NBUF
            for j in range(NBUF):
                step(base + j, (1 + j) % NBUF, first=False, last=False)
            return carry

        lax.fori_loop(0, n_mid, mid_group, 0)

        for c in range(chunks - NBUF + 1, chunks):
            step(c, c % NBUF, first=False, last=True)

        for c in range(chunks - NBUF, chunks):
            swait(c % NBUF)

    return k(idx3d, table)


def kernel(x, encoding):
    b0, b1 = x.shape
    d = encoding.shape[1]
    idx3d = x.T.reshape(NW, (b0 * b1) // (NW * CHUNK), CHUNK)
    out = _sc_gather(idx3d, encoding)
    return out.reshape(b1, b0, d).transpose(1, 0, 2)

# --- scband reference (transcript-rebuilt; emitter-appended) ---
"""Pipeline reference for scband-pos-encoding-81741817578282 (READ-ONLY COPY).

The authoritative reference and input builder live on the scoring server;
editing this copy changes nothing except your own understanding.
"""

import jax, jax.numpy as jnp
import numpy as np

SIZE = 512
MAX_T = 32768

def _prepare_emb(size=SIZE, max_t=MAX_T):
    dim_axis = jnp.power(10000.0, jnp.arange(size // 2, dtype=jnp.float32) * 2.0 / size)
    timesteps = jnp.arange(max_t, dtype=jnp.float32)
    pos_enc_in = timesteps[:, None] / dim_axis[None, :]
    pos_enc_sin = jnp.sin(pos_enc_in)
    pos_enc_cos = jnp.cos(pos_enc_in)
    pos_enc = jnp.stack([pos_enc_sin, pos_enc_cos], axis=-1).reshape(max_t, 512)
    return pos_enc.astype(jnp.float32)

def setup_inputs(seed: int = 0) -> dict:
    key = jax.random.key(seed)
    x = jax.random.randint(key, (4096, 50), 0, MAX_T, dtype=jnp.int32)
    encoding = _prepare_emb()
    return {"x": x, "encoding": encoding}

def reference(x, encoding):
    # forward: self.encoding[x] -> gather rows of the positional table
    return jnp.take(encoding, x, axis=0)

if __name__ == "__main__":
    import jax
    _d = setup_inputs()
    print(jax.jit(kernel)(*tuple(_d.values())))

</pallas_src>

<mosaic_0001>
#map = affine_map<(d0, d1) -> (0, 0, 0)>
#map1 = affine_map<(d0, d1) -> (0, 0)>
module attributes {stable_mosaic.version = 14 : i64} {
  func.func @k(%arg0: i32, %arg1: i32, %arg2: memref<32x200x32xi32, #tpu.memory_space<hbm>>, %arg3: memref<32768x512xf32, #tpu.memory_space<hbm>>, %arg4: memref<204800x512xf32, #tpu.memory_space<hbm>>, %arg5: memref<200x32xi32, #tpu.memory_space<vmem>>, %arg6: memref<5x32x512xf32, #tpu.memory_space<vmem>>, %arg7: memref<!tpu.dma_semaphore, #tpu.memory_space<semaphore_mem>>, %arg8: memref<!tpu.dma_semaphore, #tpu.memory_space<semaphore_mem>>, %arg9: memref<!tpu.dma_semaphore, #tpu.memory_space<semaphore_mem>>, %arg10: memref<!tpu.dma_semaphore, #tpu.memory_space<semaphore_mem>>, %arg11: memref<!tpu.dma_semaphore, #tpu.memory_space<semaphore_mem>>, %arg12: memref<!tpu.dma_semaphore, #tpu.memory_space<semaphore_mem>>, %arg13: memref<!tpu.dma_semaphore, #tpu.memory_space<semaphore_mem>>, %arg14: memref<!tpu.dma_semaphore, #tpu.memory_space<semaphore_mem>>, %arg15: memref<!tpu.dma_semaphore, #tpu.memory_space<semaphore_mem>>, %arg16: memref<!tpu.dma_semaphore, #tpu.memory_space<semaphore_mem>>) attributes {dimension_semantics = [#tpu.dimension_semantics<core_parallel>, #tpu.dimension_semantics<subcore_parallel>], iteration_bounds = array<i64: 2, 16>, scalar_prefetch = 0 : i64, scratch_operands = 12 : i64, tpu.core_type = #tpu.core_type<sc_vector_subcore>, window_params = [{transform_indices = #map}, {transform_indices = #map1}, {transform_indices = #map1}]} {
    %mul3A = arith.constant 2 : i32
    %mul3A_0 = arith.muli %arg1, %mul3A : i32
    %add3A = arith.addi %mul3A_0, %arg0 : i32
    %mul3A_1 = arith.constant 200 : i32
    %mul3A_2 = arith.muli %add3A, %mul3A_1 : i32
    "tpu.region"() ({
      %run_scoped3A = tpu.sem_alloc : memref<!tpu.dma_semaphore, #tpu.memory_space<semaphore_mem>>
      %dma_start3A_286 = arith.constant 0 : i32
      %dma_start3A_287 = arith.constant 0 : i32
      %dma_start3A_288 = tpu.memref_slice %arg2[%add3A, %dma_start3A_286, %dma_start3A_287] : memref<32x200x32xi32, #tpu.memory_space<hbm>> -> memref<1x200x32xi32, #tpu.memory_space<hbm>>
      %dma_start3A_289 = tpu.memref_squeeze %dma_start3A_288 : memref<1x200x32xi32, #tpu.memory_space<hbm>> -> memref<200x32xi32, #tpu.memory_space<hbm>>
      %dma_start3A_290 = arith.constant 0 : i32
      %dma_start3A_291 = arith.constant 0 : i32
      %dma_start3A_292 = tpu.memref_slice %arg2[%add3A, %dma_start3A_290, %dma_start3A_291] : memref<32x200x32xi32, #tpu.memory_space<hbm>> -> memref<1x200x32xi32, #tpu.memory_space<hbm>>
      %dma_start3A_293 = tpu.memref_squeeze %dma_start3A_292 : memref<1x200x32xi32, #tpu.memory_space<hbm>> -> memref<200x32xi32, #tpu.memory_space<hbm>>
      tpu.enqueue_dma source(%dma_start3A_293 : memref<200x32xi32, #tpu.memory_space<hbm>>) target(%arg5 : memref<200x32xi32, #tpu.memory_space<vmem>>) target_semaphore(%run_scoped3A : memref<!tpu.dma_semaphore, #tpu.memory_space<semaphore_mem>>)
      %dma_wait3A_294 = arith.constant 0 : i32
      %dma_wait3A_295 = arith.constant 0 : i32
      %dma_wait3A_296 = tpu.memref_slice %arg2[%add3A, %dma_wait3A_294, %dma_wait3A_295] : memref<32x200x32xi32, #tpu.memory_space<hbm>> -> memref<1x200x32xi32, #tpu.memory_space<hbm>>
      %dma_wait3A_297 = tpu.memref_squeeze %dma_wait3A_296 : memref<1x200x32xi32, #tpu.memory_space<hbm>> -> memref<200x32xi32, #tpu.memory_space<hbm>>
      %dma_wait3A_298 = arith.constant 0 : i32
      %dma_wait3A_299 = arith.constant 0 : i32
      %dma_wait3A_300 = tpu.memref_slice %arg2[%add3A, %dma_wait3A_298, %dma_wait3A_299] : memref<32x200x32xi32, #tpu.memory_space<hbm>> -> memref<1x200x32xi32, #tpu.memory_space<hbm>>
      %dma_wait3A_301 = tpu.memref_squeeze %dma_wait3A_300 : memref<1x200x32xi32, #tpu.memory_space<hbm>> -> memref<200x32xi32, #tpu.memory_space<hbm>>
      tpu.wait_dma2 semaphore(%run_scoped3A : memref<!tpu.dma_semaphore, #tpu.memory_space<semaphore_mem>>) src(%dma_wait3A_301 : memref<200x32xi32, #tpu.memory_space<hbm>>) dst(%arg5 : memref<200x32xi32, #tpu.memory_space<vmem>>)
      tpu.yield
    }) : () -> ()
    %dma_start3A = arith.constant 0 : i32
    %dma_start3A_3 = arith.constant 0 : i32
    %dma_start3A_4 = arith.constant 0 : i32
    %dma_start3A_5 = arith.constant 0 : i32
    %dma_start3A_6 = tpu.memref_slice %arg6[%dma_start3A_3, %dma_start3A_4, %dma_start3A_5] : memref<5x32x512xf32, #tpu.memory_space<vmem>> -> memref<1x32x512xf32, #tpu.memory_space<vmem>>
    %dma_start3A_7 = tpu.memref_squeeze %dma_start3A_6 : memref<1x32x512xf32, #tpu.memory_space<vmem>> -> memref<32x512xf32, #tpu.memory_space<vmem>>
    %dma_start3A_8 = arith.constant 0 : i32
    %dma_start3A_9 = tpu.memref_slice %arg5[%dma_start3A, %dma_start3A_8] : memref<200x32xi32, #tpu.memory_space<vmem>> -> memref<1x32xi32, #tpu.memory_space<vmem>>
    %dma_start3A_10 = tpu.memref_squeeze %dma_start3A_9 : memref<1x32xi32, #tpu.memory_space<vmem>> -> memref<32xi32, #tpu.memory_space<vmem>>
    %dma_start3A_11 = arith.constant 0 : i32
    %dma_start3A_12 = arith.constant 0 : i32
    %dma_start3A_13 = tpu.memref_slice %arg3[%dma_start3A_11, %dma_start3A_12] : memref<32768x512xf32, #tpu.memory_space<hbm>> -> memref<32768x512xf32, #tpu.memory_space<hbm>>
    tpu.enqueue_indirect_dma source(%dma_start3A_13 : memref<32768x512xf32, #tpu.memory_space<hbm>>) target(%dma_start3A_7 : memref<32x512xf32, #tpu.memory_space<vmem>>) offsets(%dma_start3A_10 : memref<32xi32, #tpu.memory_space<vmem>>) semaphore(%arg7 : memref<!tpu.dma_semaphore, #tpu.memory_space<semaphore_mem>>)
    %dma_start3A_14 = arith.constant 1 : i32
    %dma_start3A_15 = arith.constant 1 : i32
    %dma_start3A_16 = arith.constant 0 : i32
    %dma_start3A_17 = arith.constant 0 : i32
    %dma_start3A_18 = tpu.memref_slice %arg6[%dma_start3A_15, %dma_start3A_16, %dma_start3A_17] : memref<5x32x512xf32, #tpu.memory_space<vmem>> -> memref<1x32x512xf32, #tpu.memory_space<vmem>>
    %dma_start3A_19 = tpu.memref_squeeze %dma_start3A_18 : memref<1x32x512xf32, #tpu.memory_space<vmem>> -> memref<32x512xf32, #tpu.memory_space<vmem>>
    %dma_start3A_20 = arith.constant 0 : i32
    %dma_start3A_21 = tpu.memref_slice %arg5[%dma_start3A_14, %dma_start3A_20] : memref<200x32xi32, #tpu.memory_space<vmem>> -> memref<1x32xi32, #tpu.memory_space<vmem>>
    %dma_start3A_22 = tpu.memref_squeeze %dma_start3A_21 : memref<1x32xi32, #tpu.memory_space<vmem>> -> memref<32xi32, #tpu.memory_space<vmem>>
    %dma_start3A_23 = arith.constant 0 : i32
    %dma_start3A_24 = arith.constant 0 : i32
    %dma_start3A_25 = tpu.memref_slice %arg3[%dma_start3A_23, %dma_start3A_24] : memref<32768x512xf32, #tpu.memory_space<hbm>> -> memref<32768x512xf32, #tpu.memory_space<hbm>>
    tpu.enqueue_indirect_dma source(%dma_start3A_25 : memref<32768x512xf32, #tpu.memory_space<hbm>>) target(%dma_start3A_19 : memref<32x512xf32, #tpu.memory_space<vmem>>) offsets(%dma_start3A_22 : memref<32xi32, #tpu.memory_space<vmem>>) semaphore(%arg8 : memref<!tpu.dma_semaphore, #tpu.memory_space<semaphore_mem>>)
    %dma_start3A_26 = arith.constant 2 : i32
    %dma_start3A_27 = arith.constant 2 : i32
    %dma_start3A_28 = arith.constant 0 : i32
    %dma_start3A_29 = arith.constant 0 : i32
    %dma_start3A_30 = tpu.memref_slice %arg6[%dma_start3A_27, %dma_start3A_28, %dma_start3A_29] : memref<5x32x512xf32, #tpu.memory_space<vmem>> -> memref<1x32x512xf32, #tpu.memory_space<vmem>>
    %dma_start3A_31 = tpu.memref_squeeze %dma_start3A_30 : memref<1x32x512xf32, #tpu.memory_space<vmem>> -> memref<32x512xf32, #tpu.memory_space<vmem>>
    %dma_start3A_32 = arith.constant 0 : i32
    %dma_start3A_33 = tpu.memref_slice %arg5[%dma_start3A_26, %dma_start3A_32] : memref<200x32xi32, #tpu.memory_space<vmem>> -> memref<1x32xi32, #tpu.memory_space<vmem>>
    %dma_start3A_34 = tpu.memref_squeeze %dma_start3A_33 : memref<1x32xi32, #tpu.memory_space<vmem>> -> memref<32xi32, #tpu.memory_space<vmem>>
    %dma_start3A_35 = arith.constant 0 : i32
    %dma_start3A_36 = arith.constant 0 : i32
    %dma_start3A_37 = tpu.memref_slice %arg3[%dma_start3A_35, %dma_start3A_36] : memref<32768x512xf32, #tpu.memory_space<hbm>> -> memref<32768x512xf32, #tpu.memory_space<hbm>>
    tpu.enqueue_indirect_dma source(%dma_start3A_37 : memref<32768x512xf32, #tpu.memory_space<hbm>>) target(%dma_start3A_31 : memref<32x512xf32, #tpu.memory_space<vmem>>) offsets(%dma_start3A_34 : memref<32xi32, #tpu.memory_space<vmem>>) semaphore(%arg9 : memref<!tpu.dma_semaphore, #tpu.memory_space<semaphore_mem>>)
    %dma_start3A_38 = arith.constant 3 : i32
    %dma_start3A_39 = arith.constant 3 : i32
    %dma_start3A_40 = arith.constant 0 : i32
    %dma_start3A_41 = arith.constant 0 : i32
    %dma_start3A_42 = tpu.memref_slice %arg6[%dma_start3A_39, %dma_start3A_40, %dma_start3A_41] : memref<5x32x512xf32, #tpu.memory_space<vmem>> -> memref<1x32x512xf32, #tpu.memory_space<vmem>>
    %dma_start3A_43 = tpu.memref_squeeze %dma_start3A_42 : memref<1x32x512xf32, #tpu.memory_space<vmem>> -> memref<32x512xf32, #tpu.memory_space<vmem>>
    %dma_start3A_44 = arith.constant 0 : i32
    %dma_start3A_45 = tpu.memref_slice %arg5[%dma_start3A_38, %dma_start3A_44] : memref<200x32xi32, #tpu.memory_space<vmem>> -> memref<1x32xi32, #tpu.memory_space<vmem>>
    %dma_start3A_46 = tpu.memref_squeeze %dma_start3A_45 : memref<1x32xi32, #tpu.memory_space<vmem>> -> memref<32xi32, #tpu.memory_space<vmem>>
    %dma_start3A_47 = arith.constant 0 : i32
    %dma_start3A_48 = arith.constant 0 : i32
    %dma_start3A_49 = tpu.memref_slice %arg3[%dma_start3A_47, %dma_start3A_48] : memref<32768x512xf32, #tpu.memory_space<hbm>> -> memref<32768x512xf32, #tpu.memory_space<hbm>>
    tpu.enqueue_indirect_dma source(%dma_start3A_49 : memref<32768x512xf32, #tpu.memory_space<hbm>>) target(%dma_start3A_43 : memref<32x512xf32, #tpu.memory_space<vmem>>) offsets(%dma_start3A_46 : memref<32xi32, #tpu.memory_space<vmem>>) semaphore(%arg10 : memref<!tpu.dma_semaphore, #tpu.memory_space<semaphore_mem>>)
    %dma_wait3A = arith.constant 0 : i32
    %dma_wait3A_50 = arith.constant 0 : i32
    %dma_wait3A_51 = arith.constant 0 : i32
    %dma_wait3A_52 = arith.constant 0 : i32
    %dma_wait3A_53 = tpu.memref_slice %arg6[%dma_wait3A_50, %dma_wait3A_51, %dma_wait3A_52] : memref<5x32x512xf32, #tpu.memory_space<vmem>> -> memref<1x32x512xf32, #tpu.memory_space<vmem>>
    %dma_wait3A_54 = tpu.memref_squeeze %dma_wait3A_53 : memref<1x32x512xf32, #tpu.memory_space<vmem>> -> memref<32x512xf32, #tpu.memory_space<vmem>>
    %dma_wait3A_55 = arith.constant 0 : i32
    %dma_wait3A_56 = tpu.memref_slice %arg5[%dma_wait3A, %dma_wait3A_55] : memref<200x32xi32, #tpu.memory_space<vmem>> -> memref<1x32xi32, #tpu.memory_space<vmem>>
    %dma_wait3A_57 = tpu.memref_squeeze %dma_wait3A_56 : memref<1x32xi32, #tpu.memory_space<vmem>> -> memref<32xi32, #tpu.memory_space<vmem>>
    %dma_wait3A_58 = arith.constant 0 : i32
    %dma_wait3A_59 = arith.constant 0 : i32
    %dma_wait3A_60 = tpu.memref_slice %arg3[%dma_wait3A_58, %dma_wait3A_59] : memref<32768x512xf32, #tpu.memory_space<hbm>> -> memref<32768x512xf32, #tpu.memory_space<hbm>>
    tpu.wait_indirect_dma semaphore(%arg7 : memref<!tpu.dma_semaphore, #tpu.memory_space<semaphore_mem>>) src(%dma_wait3A_60 : memref<32768x512xf32, #tpu.memory_space<hbm>>) dst(%dma_wait3A_54 : memref<32x512xf32, #tpu.memory_space<vmem>>)
    %add3A_61 = arith.constant 0 : i32
    %add3A_62 = arith.addi %mul3A_2, %add3A_61 : i32
    %mul3A_63 = arith.constant 32 : i32
    %mul3A_64 = arith.muli %add3A_62, %mul3A_63 : i32
    %dma_start3A_65 = arith.constant 0 : i32
    %dma_start3A_66 = arith.constant 0 : i32
    %dma_start3A_67 = arith.constant 0 : i32
    %dma_start3A_68 = tpu.memref_slice %arg6[%dma_start3A_65, %dma_start3A_66, %dma_start3A_67] : memref<5x32x512xf32, #tpu.memory_space<vmem>> -> memref<1x32x512xf32, #tpu.memory_space<vmem>>
    %dma_start3A_69 = tpu.memref_squeeze %dma_start3A_68 : memref<1x32x512xf32, #tpu.memory_space<vmem>> -> memref<32x512xf32, #tpu.memory_space<vmem>>
    %dma_start3A_70 = arith.constant 0 : i32
    %dma_start3A_71 = tpu.memref_slice %arg4[%mul3A_64, %dma_start3A_70] : memref<204800x512xf32, #tpu.memory_space<hbm>> -> memref<32x512xf32, #tpu.memory_space<hbm>>
    %dma_start3A_72 = arith.constant 0 : i32
    %dma_start3A_73 = tpu.memref_slice %arg4[%mul3A_64, %dma_start3A_72] : memref<204800x512xf32, #tpu.memory_space<hbm>> -> memref<32x512xf32, #tpu.memory_space<hbm>>
    %dma_start3A_74 = arith.constant 0 : i32
    %dma_start3A_75 = arith.constant 0 : i32
    %dma_start3A_76 = tpu.memref_slice %arg6[%dma_start3A_65, %dma_start3A_74, %dma_start3A_75] : memref<5x32x512xf32, #tpu.memory_space<vmem>> -> memref<1x32x512xf32, #tpu.memory_space<vmem>>
    %dma_start3A_77 = tpu.memref_squeeze %dma_start3A_76 : memref<1x32x512xf32, #tpu.memory_space<vmem>> -> memref<32x512xf32, #tpu.memory_space<vmem>>
    tpu.enqueue_dma source(%dma_start3A_77 : memref<32x512xf32, #tpu.memory_space<vmem>>) target(%dma_start3A_73 : memref<32x512xf32, #tpu.memory_space<hbm>>) target_semaphore(%arg12 : memref<!tpu.dma_semaphore, #tpu.memory_space<semaphore_mem>>)
    %dma_start3A_78 = arith.constant 4 : i32
    %dma_start3A_79 = arith.constant 4 : i32
    %dma_start3A_80 = arith.constant 0 : i32
    %dma_start3A_81 = arith.constant 0 : i32
    %dma_start3A_82 = tpu.memref_slice %arg6[%dma_start3A_79, %dma_start3A_80, %dma_start3A_81] : memref<5x32x512xf32, #tpu.memory_space<vmem>> -> memref<1x32x512xf32, #tpu.memory_space<vmem>>
    %dma_start3A_83 = tpu.memref_squeeze %dma_start3A_82 : memref<1x32x512xf32, #tpu.memory_space<vmem>> -> memref<32x512xf32, #tpu.memory_space<vmem>>
    %dma_start3A_84 = arith.constant 0 : i32
    %dma_start3A_85 = tpu.memref_slice %arg5[%dma_start3A_78, %dma_start3A_84] : memref<200x32xi32, #tpu.memory_space<vmem>> -> memref<1x32xi32, #tpu.memory_space<vmem>>
    %dma_start3A_86 = tpu.memref_squeeze %dma_start3A_85 : memref<1x32xi32, #tpu.memory_space<vmem>> -> memref<32xi32, #tpu.memory_space<vmem>>
    %dma_start3A_87 = arith.constant 0 : i32
    %dma_start3A_88 = arith.constant 0 : i32
    %dma_start3A_89 = tpu.memref_slice %arg3[%dma_start3A_87, %dma_start3A_88] : memref<32768x512xf32, #tpu.memory_space<hbm>> -> memref<32768x512xf32, #tpu.memory_space<hbm>>
    tpu.enqueue_indirect_dma source(%dma_start3A_89 : memref<32768x512xf32, #tpu.memory_space<hbm>>) target(%dma_start3A_83 : memref<32x512xf32, #tpu.memory_space<vmem>>) offsets(%dma_start3A_86 : memref<32xi32, #tpu.memory_space<vmem>>) semaphore(%arg11 : memref<!tpu.dma_semaphore, #tpu.memory_space<semaphore_mem>>)
    %scan3A = arith.constant 0 : i32
    %scan3A_90 = arith.constant 0 : i32
    %scan3A_91 = arith.constant 39 : i32
    %scan3A_92 = arith.addi %scan3A_90, %scan3A_91 : i32
    %scan3A_93 = arith.constant 1 : i32
    scf.for %scan3A_286 = %scan3A_90 to %scan3A_92 step %scan3A_93  : i32 {
      %mul3A_287 = arith.constant 5 : i32
      %mul3A_288 = arith.muli %scan3A_286, %mul3A_287 : i32
      %add3A_289 = arith.constant 1 : i32
      %add3A_290 = arith.addi %add3A_289, %mul3A_288 : i32
      %add3A_291 = arith.constant 0 : i32
      %add3A_292 = arith.addi %add3A_290, %add3A_291 : i32
      %dma_wait3A_293 = arith.constant 0 : i32
      %dma_wait3A_294 = arith.constant 1 : i32
      %dma_wait3A_295 = arith.constant 0 : i32
      %dma_wait3A_296 = arith.constant 0 : i32
      %dma_wait3A_297 = tpu.memref_slice %arg6[%dma_wait3A_294, %dma_wait3A_295, %dma_wait3A_296] : memref<5x32x512xf32, #tpu.memory_space<vmem>> -> memref<1x32x512xf32, #tpu.memory_space<vmem>>
      %dma_wait3A_298 = tpu.memref_squeeze %dma_wait3A_297 : memref<1x32x512xf32, #tpu.memory_space<vmem>> -> memref<32x512xf32, #tpu.memory_space<vmem>>
      %dma_wait3A_299 = arith.constant 0 : i32
      %dma_wait3A_300 = tpu.memref_slice %arg5[%dma_wait3A_293, %dma_wait3A_299] : memref<200x32xi32, #tpu.memory_space<vmem>> -> memref<1x32xi32, #tpu.memory_space<vmem>>
      %dma_wait3A_301 = tpu.memref_squeeze %dma_wait3A_300 : memref<1x32xi32, #tpu.memory_space<vmem>> -> memref<32xi32, #tpu.memory_space<vmem>>
      %dma_wait3A_302 = arith.constant 0 : i32
      %dma_wait3A_303 = arith.constant 0 : i32
      %dma_wait3A_304 = tpu.memref_slice %arg3[%dma_wait3A_302, %dma_wait3A_303] : memref<32768x512xf32, #tpu.memory_space<hbm>> -> memref<32768x512xf32, #tpu.memory_space<hbm>>
      tpu.wait_indirect_dma semaphore(%arg8 : memref<!tpu.dma_semaphore, #tpu.memory_space<semaphore_mem>>) src(%dma_wait3A_304 : memref<32768x512xf32, #tpu.memory_space<hbm>>) dst(%dma_wait3A_298 : memref<32x512xf32, #tpu.memory_space<vmem>>)
      %add3A_305 = arith.addi %mul3A_2, %add3A_292 : i32
      %mul3A_306 = arith.constant 32 : i32
      %mul3A_307 = arith.muli %add3A_305, %mul3A_306 : i32
      %dma_start3A_308 = arith.constant 1 : i32
      %dma_start3A_309 = arith.constant 0 : i32
      %dma_start3A_310 = arith.constant 0 : i32
      %dma_start3A_311 = tpu.memref_slice %arg6[%dma_start3A_308, %dma_start3A_309, %dma_start3A_310] : memref<5x32x512xf32, #tpu.memory_space<vmem>> -> memref<1x32x512xf32, #tpu.memory_space<vmem>>
      %dma_start3A_312 = tpu.memref_squeeze %dma_start3A_311 : memref<1x32x512xf32, #tpu.memory_space<vmem>> -> memref<32x512xf32, #tpu.memory_space<vmem>>
      %dma_start3A_313 = arith.constant 0 : i32
      %dma_start3A_314 = tpu.memref_slice %arg4[%mul3A_307, %dma_start3A_313] : memref<204800x512xf32, #tpu.memory_space<hbm>> -> memref<32x512xf32, #tpu.memory_space<hbm>>
      %dma_start3A_315 = arith.constant 0 : i32
      %dma_start3A_316 = tpu.memref_slice %arg4[%mul3A_307, %dma_start3A_315] : memref<204800x512xf32, #tpu.memory_space<hbm>> -> memref<32x512xf32, #tpu.memory_space<hbm>>
      %dma_start3A_317 = arith.constant 0 : i32
      %dma_start3A_318 = arith.constant 0 : i32
      %dma_start3A_319 = tpu.memref_slice %arg6[%dma_start3A_308, %dma_start3A_317, %dma_start3A_318] : memref<5x32x512xf32, #tpu.memory_space<vmem>> -> memref<1x32x512xf32, #tpu.memory_space<vmem>>
      %dma_start3A_320 = tpu.memref_squeeze %dma_start3A_319 : memref<1x32x512xf32, #tpu.memory_space<vmem>> -> memref<32x512xf32, #tpu.memory_space<vmem>>
      tpu.enqueue_dma source(%dma_start3A_320 : memref<32x512xf32, #tpu.memory_space<vmem>>) target(%dma_start3A_316 : memref<32x512xf32, #tpu.memory_space<hbm>>) target_semaphore(%arg13 : memref<!tpu.dma_semaphore, #tpu.memory_space<semaphore_mem>>)
      %mul3A_321 = arith.constant 32 : i32
      %mul3A_322 = arith.muli %mul3A_2, %mul3A_321 : i32
      %dma_wait3A_323 = arith.constant 0 : i32
      %dma_wait3A_324 = arith.constant 0 : i32
      %dma_wait3A_325 = arith.constant 0 : i32
      %dma_wait3A_326 = tpu.memref_slice %arg6[%dma_wait3A_323, %dma_wait3A_324, %dma_wait3A_325] : memref<5x32x512xf32, #tpu.memory_space<vmem>> -> memref<1x32x512xf32, #tpu.memory_space<vmem>>
      %dma_wait3A_327 = tpu.memref_squeeze %dma_wait3A_326 : memref<1x32x512xf32, #tpu.memory_space<vmem>> -> memref<32x512xf32, #tpu.memory_space<vmem>>
      %dma_wait3A_328 = arith.constant 0 : i32
      %dma_wait3A_329 = tpu.memref_slice %arg4[%mul3A_322, %dma_wait3A_328] : memref<204800x512xf32, #tpu.memory_space<hbm>> -> memref<32x512xf32, #tpu.memory_space<hbm>>
      %dma_wait3A_330 = arith.constant 0 : i32
      %dma_wait3A_331 = tpu.memref_slice %arg4[%mul3A_322, %dma_wait3A_330] : memref<204800x512xf32, #tpu.memory_space<hbm>> -> memref<32x512xf32, #tpu.memory_space<hbm>>
      %dma_wait3A_332 = arith.constant 0 : i32
      %dma_wait3A_333 = arith.constant 0 : i32
      %dma_wait3A_334 = tpu.memref_slice %arg6[%dma_wait3A_323, %dma_wait3A_332, %dma_wait3A_333] : memref<5x32x512xf32, #tpu.memory_space<vmem>> -> memref<1x32x512xf32, #tpu.memory_space<vmem>>
      %dma_wait3A_335 = tpu.memref_squeeze %dma_wait3A_334 : memref<1x32x512xf32, #tpu.memory_space<vmem>> -> memref<32x512xf32, #tpu.memory_space<vmem>>
      tpu.wait_dma2 semaphore(%arg12 : memref<!tpu.dma_semaphore, #tpu.memory_space<semaphore_mem>>) src(%dma_wait3A_335 : memref<32x512xf32, #tpu.memory_space<vmem>>) dst(%dma_wait3A_331 : memref<32x512xf32, #tpu.memory_space<hbm>>)
      %add3A_336 = arith.constant 5 : i32
      %add3A_337 = arith.addi %add3A_292, %add3A_336 : i32
      %sub3A = arith.constant 1 : i32
      %sub3A_338 = arith.subi %add3A_337, %sub3A : i32
      %dma_start3A_339 = arith.constant 0 : i32
      %dma_start3A_340 = arith.constant 0 : i32
      %dma_start3A_341 = arith.constant 0 : i32
      %dma_start3A_342 = tpu.memref_slice %arg6[%dma_start3A_339, %dma_start3A_340, %dma_start3A_341] : memref<5x32x512xf32, #tpu.memory_space<vmem>> -> memref<1x32x512xf32, #tpu.memory_space<vmem>>
      %dma_start3A_343 = tpu.memref_squeeze %dma_start3A_342 : memref<1x32x512xf32, #tpu.memory_space<vmem>> -> memref<32x512xf32, #tpu.memory_space<vmem>>
      %dma_start3A_344 = arith.constant 0 : i32
      %dma_start3A_345 = tpu.memref_slice %arg5[%sub3A_338, %dma_start3A_344] : memref<200x32xi32, #tpu.memory_space<vmem>> -> memref<1x32xi32, #tpu.memory_space<vmem>>
      %dma_start3A_346 = tpu.memref_squeeze %dma_start3A_345 : memref<1x32xi32, #tpu.memory_space<vmem>> -> memref<32xi32, #tpu.memory_space<vmem>>
      %dma_start3A_347 = arith.constant 0 : i32
      %dma_start3A_348 = arith.constant 0 : i32
      %dma_start3A_349 = tpu.memref_slice %arg3[%dma_start3A_347, %dma_start3A_348] : memref<32768x512xf32, #tpu.memory_space<hbm>> -> memref<32768x512xf32, #tpu.memory_space<hbm>>
      tpu.enqueue_indirect_dma source(%dma_start3A_349 : memref<32768x512xf32, #tpu.memory_space<hbm>>) target(%dma_start3A_343 : memref<32x512xf32, #tpu.memory_space<vmem>>) offsets(%dma_start3A_346 : memref<32xi32, #tpu.memory_space<vmem>>) semaphore(%arg7 : memref<!tpu.dma_semaphore, #tpu.memory_space<semaphore_mem>>)
      %add3A_350 = arith.constant 1 : i32
      %add3A_351 = arith.addi %add3A_290, %add3A_350 : i32
      %dma_wait3A_352 = arith.constant 0 : i32
      %dma_wait3A_353 = arith.constant 2 : i32
      %dma_wait3A_354 = arith.constant 0 : i32
      %dma_wait3A_355 = arith.constant 0 : i32
      %dma_wait3A_356 = tpu.memref_slice %arg6[%dma_wait3A_353, %dma_wait3A_354, %dma_wait3A_355] : memref<5x32x512xf32, #tpu.memory_space<vmem>> -> memref<1x32x512xf32, #tpu.memory_space<vmem>>
      %dma_wait3A_357 = tpu.memref_squeeze %dma_wait3A_356 : memref<1x32x512xf32, #tpu.memory_space<vmem>> -> memref<32x512xf32, #tpu.memory_space<vmem>>
      %dma_wait3A_358 = arith.constant 0 : i32
      %dma_wait3A_359 = tpu.memref_slice %arg5[%dma_wait3A_352, %dma_wait3A_358] : memref<200x32xi32, #tpu.memory_space<vmem>> -> memref<1x32xi32, #tpu.memory_space<vmem>>
      %dma_wait3A_360 = tpu.memref_squeeze %dma_wait3A_359 : memref<1x32xi32, #tpu.memory_space<vmem>> -> memref<32xi32, #tpu.memory_space<vmem>>
      %dma_wait3A_361 = arith.constant 0 : i32
      %dma_wait3A_362 = arith.constant 0 : i32
      %dma_wait3A_363 = tpu.memref_slice %arg3[%dma_wait3A_361, %dma_wait3A_362] : memref<32768x512xf32, #tpu.memory_space<hbm>> -> memref<32768x512xf32, #tpu.memory_space<hbm>>
      tpu.wait_indirect_dma semaphore(%arg9 : memref<!tpu.dma_semaphore, #tpu.memory_space<semaphore_mem>>) src(%dma_wait3A_363 : memref<32768x512xf32, #tpu.memory_space<hbm>>) dst(%dma_wait3A_357 : memref<32x512xf32, #tpu.memory_space<vmem>>)
      %add3A_364 = arith.addi %mul3A_2, %add3A_351 : i32
      %mul3A_365 = arith.constant 32 : i32
      %mul3A_366 = arith.muli %add3A_364, %mul3A_365 : i32
      %dma_start3A_367 = arith.constant 2 : i32
      %dma_start3A_368 = arith.constant 0 : i32
      %dma_start3A_369 = arith.constant 0 : i32
      %dma_start3A_370 = tpu.memref_slice %arg6[%dma_start3A_367, %dma_start3A_368, %dma_start3A_369] : memref<5x32x512xf32, #tpu.memory_space<vmem>> -> memref<1x32x512xf32, #tpu.memory_space<vmem>>
      %dma_start3A_371 = tpu.memref_squeeze %dma_start3A_370 : memref<1x32x512xf32, #tpu.memory_space<vmem>> -> memref<32x512xf32, #tpu.memory_space<vmem>>
      %dma_start3A_372 = arith.constant 0 : i32
      %dma_start3A_373 = tpu.memref_slice %arg4[%mul3A_366, %dma_start3A_372] : memref<204800x512xf32, #tpu.memory_space<hbm>> -> memref<32x512xf32, #tpu.memory_space<hbm>>
      %dma_start3A_374 = arith.constant 0 : i32
      %dma_start3A_375 = tpu.memref_slice %arg4[%mul3A_366, %dma_start3A_374] : memref<204800x512xf32, #tpu.memory_space<hbm>> -> memref<32x512xf32, #tpu.memory_space<hbm>>
      %dma_start3A_376 = arith.constant 0 : i32
      %dma_start3A_377 = arith.constant 0 : i32
      %dma_start3A_378 = tpu.memref_slice %arg6[%dma_start3A_367, %dma_start3A_376, %dma_start3A_377] : memref<5x32x512xf32, #tpu.memory_space<vmem>> -> memref<1x32x512xf32, #tpu.memory_space<vmem>>
      %dma_start3A_379 = tpu.memref_squeeze %dma_start3A_378 : memref<1x32x512xf32, #tpu.memory_space<vmem>> -> memref<32x512xf32, #tpu.memory_space<vmem>>
      tpu.enqueue_dma source(%dma_start3A_379 : memref<32x512xf32, #tpu.memory_space<vmem>>) target(%dma_start3A_375 : memref<32x512xf32, #tpu.memory_space<hbm>>) target_semaphore(%arg14 : memref<!tpu.dma_semaphore, #tpu.memory_space<semaphore_mem>>)
      %mul3A_380 = arith.constant 32 : i32
      %mul3A_381 = arith.muli %mul3A_2, %mul3A_380 : i32
      %dma_wait3A_382 = arith.constant 1 : i32
      %dma_wait3A_383 = arith.constant 0 : i32
      %dma_wait3A_384 = arith.constant 0 : i32
      %dma_wait3A_385 = tpu.memref_slice %arg6[%dma_wait3A_382, %dma_wait3A_383, %dma_wait3A_384] : memref<5x32x512xf32, #tpu.memory_space<vmem>> -> memref<1x32x512xf32, #tpu.memory_space<vmem>>
      %dma_wait3A_386 = tpu.memref_squeeze %dma_wait3A_385 : memref<1x32x512xf32, #tpu.memory_space<vmem>> -> memref<32x512xf32, #tpu.memory_space<vmem>>
      %dma_wait3A_387 = arith.constant 0 : i32
      %dma_wait3A_388 = tpu.memref_slice %arg4[%mul3A_381, %dma_wait3A_387] : memref<204800x512xf32, #tpu.memory_space<hbm>> -> memref<32x512xf32, #tpu.memory_space<hbm>>
      %dma_wait3A_389 = arith.constant 0 : i32
      %dma_wait3A_390 = tpu.memref_slice %arg4[%mul3A_381, %dma_wait3A_389] : memref<204800x512xf32, #tpu.memory_space<hbm>> -> memref<32x512xf32, #tpu.memory_space<hbm>>
      %dma_wait3A_391 = arith.constant 0 : i32
      %dma_wait3A_392 = arith.constant 0 : i32
      %dma_wait3A_393 = tpu.memref_slice %arg6[%dma_wait3A_382, %dma_wait3A_391, %dma_wait3A_392] : memref<5x32x512xf32, #tpu.memory_space<vmem>> -> memref<1x32x512xf32, #tpu.memory_space<vmem>>
      %dma_wait3A_394 = tpu.memref_squeeze %dma_wait3A_393 : memref<1x32x512xf32, #tpu.memory_space<vmem>> -> memref<32x512xf32, #tpu.memory_space<vmem>>
      tpu.wait_dma2 semaphore(%arg13 : memref<!tpu.dma_semaphore, #tpu.memory_space<semaphore_mem>>) src(%dma_wait3A_394 : memref<32x512xf32, #tpu.memory_space<vmem>>) dst(%dma_wait3A_390 : memref<32x512xf32, #tpu.memory_space<hbm>>)
      %add3A_395 = arith.constant 5 : i32
      %add3A_396 = arith.addi %add3A_351, %add3A_395 : i32
      %sub3A_397 = arith.constant 1 : i32
      %sub3A_398 = arith.subi %add3A_396, %sub3A_397 : i32
      %dma_start3A_399 = arith.constant 1 : i32
      %dma_start3A_400 = arith.constant 0 : i32
      %dma_start3A_401 = arith.constant 0 : i32
      %dma_start3A_402 = tpu.memref_slice %arg6[%dma_start3A_399, %dma_start3A_400, %dma_start3A_401] : memref<5x32x512xf32, #tpu.memory_space<vmem>> -> memref<1x32x512xf32, #tpu.memory_space<vmem>>
      %dma_start3A_403 = tpu.memref_squeeze %dma_start3A_402 : memref<1x32x512xf32, #tpu.memory_space<vmem>> -> memref<32x512xf32, #tpu.memory_space<vmem>>
      %dma_start3A_404 = arith.constant 0 : i32
      %dma_start3A_405 = tpu.memref_slice %arg5[%sub3A_398, %dma_start3A_404] : memref<200x32xi32, #tpu.memory_space<vmem>> -> memref<1x32xi32, #tpu.memory_space<vmem>>
      %dma_start3A_406 = tpu.memref_squeeze %dma_start3A_405 : memref<1x32xi32, #tpu.memory_space<vmem>> -> memref<32xi32, #tpu.memory_space<vmem>>
      %dma_start3A_407 = arith.constant 0 : i32
      %dma_start3A_408 = arith.constant 0 : i32
      %dma_start3A_409 = tpu.memref_slice %arg3[%dma_start3A_407, %dma_start3A_408] : memref<32768x512xf32, #tpu.memory_space<hbm>> -> memref<32768x512xf32, #tpu.memory_space<hbm>>
      tpu.enqueue_indirect_dma source(%dma_start3A_409 : memref<32768x512xf32, #tpu.memory_space<hbm>>) target(%dma_start3A_403 : memref<32x512xf32, #tpu.memory_space<vmem>>) offsets(%dma_start3A_406 : memref<32xi32, #tpu.memory_space<vmem>>) semaphore(%arg8 : memref<!tpu.dma_semaphore, #tpu.memory_space<semaphore_mem>>)
      %add3A_410 = arith.constant 2 : i32
      %add3A_411 = arith.addi %add3A_290, %add3A_410 : i32
      %dma_wait3A_412 = arith.constant 0 : i32
      %dma_wait3A_413 = arith.constant 3 : i32
      %dma_wait3A_414 = arith.constant 0 : i32
      %dma_wait3A_415 = arith.constant 0 : i32
      %dma_wait3A_416 = tpu.memref_slice %arg6[%dma_wait3A_413, %dma_wait3A_414, %dma_wait3A_415] : memref<5x32x512xf32, #tpu.memory_space<vmem>> -> memref<1x32x512xf32, #tpu.memory_space<vmem>>
      %dma_wait3A_417 = tpu.memref_squeeze %dma_wait3A_416 : memref<1x32x512xf32, #tpu.memory_space<vmem>> -> memref<32x512xf32, #tpu.memory_space<vmem>>
      %dma_wait3A_418 = arith.constant 0 : i32
      %dma_wait3A_419 = tpu.memref_slice %arg5[%dma_wait3A_412, %dma_wait3A_418] : memref<200x32xi32, #tpu.memory_space<vmem>> -> memref<1x32xi32, #tpu.memory_space<vmem>>
      %dma_wait3A_420 = tpu.memref_squeeze %dma_wait3A_419 : memref<1x32xi32, #tpu.memory_space<vmem>> -> memref<32xi32, #tpu.memory_space<vmem>>
      %dma_wait3A_421 = arith.constant 0 : i32
      %dma_wait3A_422 = arith.constant 0 : i32
      %dma_wait3A_423 = tpu.memref_slice %arg3[%dma_wait3A_421, %dma_wait3A_422] : memref<32768x512xf32, #tpu.memory_space<hbm>> -> memref<32768x512xf32, #tpu.memory_space<hbm>>
      tpu.wait_indirect_dma semaphore(%arg10 : memref<!tpu.dma_semaphore, #tpu.memory_space<semaphore_mem>>) src(%dma_wait3A_423 : memref<32768x512xf32, #tpu.memory_space<hbm>>) dst(%dma_wait3A_417 : memref<32x512xf32, #tpu.memory_space<vmem>>)
      %add3A_424 = arith.addi %mul3A_2, %add3A_411 : i32
      %mul3A_425 = arith.constant 32 : i32
      %mul3A_426 = arith.muli %add3A_424, %mul3A_425 : i32
      %dma_start3A_427 = arith.constant 3 : i32
      %dma_start3A_428 = arith.constant 0 : i32
      %dma_start3A_429 = arith.constant 0 : i32
      %dma_start3A_430 = tpu.memref_slice %arg6[%dma_start3A_427, %dma_start3A_428, %dma_start3A_429] : memref<5x32x512xf32, #tpu.memory_space<vmem>> -> memref<1x32x512xf32, #tpu.memory_space<vmem>>
      %dma_start3A_431 = tpu.memref_squeeze %dma_start3A_430 : memref<1x32x512xf32, #tpu.memory_space<vmem>> -> memref<32x512xf32, #tpu.memory_space<vmem>>
      %dma_start3A_432 = arith.constant 0 : i32
      %dma_start3A_433 = tpu.memref_slice %arg4[%mul3A_426, %dma_start3A_432] : memref<204800x512xf32, #tpu.memory_space<hbm>> -> memref<32x512xf32, #tpu.memory_space<hbm>>
      %dma_start3A_434 = arith.constant 0 : i32
      %dma_start3A_435 = tpu.memref_slice %arg4[%mul3A_426, %dma_start3A_434] : memref<204800x512xf32, #tpu.memory_space<hbm>> -> memref<32x512xf32, #tpu.memory_space<hbm>>
      %dma_start3A_436 = arith.constant 0 : i32
      %dma_start3A_437 = arith.constant 0 : i32
      %dma_start3A_438 = tpu.memref_slice %arg6[%dma_start3A_427, %dma_start3A_436, %dma_start3A_437] : memref<5x32x512xf32, #tpu.memory_space<vmem>> -> memref<1x32x512xf32, #tpu.memory_space<vmem>>
      %dma_start3A_439 = tpu.memref_squeeze %dma_start3A_438 : memref<1x32x512xf32, #tpu.memory_space<vmem>> -> memref<32x512xf32, #tpu.memory_space<vmem>>
      tpu.enqueue_dma source(%dma_start3A_439 : memref<32x512xf32, #tpu.memory_space<vmem>>) target(%dma_start3A_435 : memref<32x512xf32, #tpu.memory_space<hbm>>) target_semaphore(%arg15 : memref<!tpu.dma_semaphore, #tpu.memory_space<semaphore_mem>>)
      %mul3A_440 = arith.constant 32 : i32
      %mul3A_441 = arith.muli %mul3A_2, %mul3A_440 : i32
      %dma_wait3A_442 = arith.constant 2 : i32
      %dma_wait3A_443 = arith.constant 0 : i32
      %dma_wait3A_444 = arith.constant 0 : i32
      %dma_wait3A_445 = tpu.memref_slice %arg6[%dma_wait3A_442, %dma_wait3A_443, %dma_wait3A_444] : memref<5x32x512xf32, #tpu.memory_space<vmem>> -> memref<1x32x512xf32, #tpu.memory_space<vmem>>
      %dma_wait3A_446 = tpu.memref_squeeze %dma_wait3A_445 : memref<1x32x512xf32, #tpu.memory_space<vmem>> -> memref<32x512xf32, #tpu.memory_space<vmem>>
      %dma_wait3A_447 = arith.constant 0 : i32
      %dma_wait3A_448 = tpu.memref_slice %arg4[%mul3A_441, %dma_wait3A_447] : memref<204800x512xf32, #tpu.memory_space<hbm>> -> memref<32x512xf32, #tpu.memory_space<hbm>>
      %dma_wait3A_449 = arith.constant 0 : i32
      %dma_wait3A_450 = tpu.memref_slice %arg4[%mul3A_441, %dma_wait3A_449] : memref<204800x512xf32, #tpu.memory_space<hbm>> -> memref<32x512xf32, #tpu.memory_space<hbm>>
      %dma_wait3A_451 = arith.constant 0 : i32
      %dma_wait3A_452 = arith.constant 0 : i32
      %dma_wait3A_453 = tpu.memref_slice %arg6[%dma_wait3A_442, %dma_wait3A_451, %dma_wait3A_452] : memref<5x32x512xf32, #tpu.memory_space<vmem>> -> memref<1x32x512xf32, #tpu.memory_space<vmem>>
      %dma_wait3A_454 = tpu.memref_squeeze %dma_wait3A_453 : memref<1x32x512xf32, #tpu.memory_space<vmem>> -> memref<32x512xf32, #tpu.memory_space<vmem>>
      tpu.wait_dma2 semaphore(%arg14 : memref<!tpu.dma_semaphore, #tpu.memory_space<semaphore_mem>>) src(%dma_wait3A_454 : memref<32x512xf32, #tpu.memory_space<vmem>>) dst(%dma_wait3A_450 : memref<32x512xf32, #tpu.memory_space<hbm>>)
      %add3A_455 = arith.constant 5 : i32
      %add3A_456 = arith.addi %add3A_411, %add3A_455 : i32
      %sub3A_457 = arith.constant 1 : i32
      %sub3A_458 = arith.subi %add3A_456, %sub3A_457 : i32
      %dma_start3A_459 = arith.constant 2 : i32
      %dma_start3A_460 = arith.constant 0 : i32
      %dma_start3A_461 = arith.constant 0 : i32
      %dma_start3A_462 = tpu.memref_slice %arg6[%dma_start3A_459, %dma_start3A_460, %dma_start3A_461] : memref<5x32x512xf32, #tpu.memory_space<vmem>> -> memref<1x32x512xf32, #tpu.memory_space<vmem>>
      %dma_start3A_463 = tpu.memref_squeeze %dma_start3A_462 : memref<1x32x512xf32, #tpu.memory_space<vmem>> -> memref<32x512xf32, #tpu.memory_space<vmem>>
      %dma_start3A_464 = arith.constant 0 : i32
      %dma_start3A_465 = tpu.memref_slice %arg5[%sub3A_458, %dma_start3A_464] : memref<200x32xi32, #tpu.memory_space<vmem>> -> memref<1x32xi32, #tpu.memory_space<vmem>>
      %dma_start3A_466 = tpu.memref_squeeze %dma_start3A_465 : memref<1x32xi32, #tpu.memory_space<vmem>> -> memref<32xi32, #tpu.memory_space<vmem>>
      %dma_start3A_467 = arith.constant 0 : i32
      %dma_start3A_468 = arith.constant 0 : i32
      %dma_start3A_469 = tpu.memref_slice %arg3[%dma_start3A_467, %dma_start3A_468] : memref<32768x512xf32, #tpu.memory_space<hbm>> -> memref<32768x512xf32, #tpu.memory_space<hbm>>
      tpu.enqueue_indirect_dma source(%dma_start3A_469 : memref<32768x512xf32, #tpu.memory_space<hbm>>) target(%dma_start3A_463 : memref<32x512xf32, #tpu.memory_space<vmem>>) offsets(%dma_start3A_466 : memref<32xi32, #tpu.memory_space<vmem>>) semaphore(%arg9 : memref<!tpu.dma_semaphore, #tpu.memory_space<semaphore_mem>>)
      %add3A_470 = arith.constant 3 : i32
      %add3A_471 = arith.addi %add3A_290, %add3A_470 : i32
      %dma_wait3A_472 = arith.constant 0 : i32
      %dma_wait3A_473 = arith.constant 4 : i32
      %dma_wait3A_474 = arith.constant 0 : i32
      %dma_wait3A_475 = arith.constant 0 : i32
      %dma_wait3A_476 = tpu.memref_slice %arg6[%dma_wait3A_473, %dma_wait3A_474, %dma_wait3A_475] : memref<5x32x512xf32, #tpu.memory_space<vmem>> -> memref<1x32x512xf32, #tpu.memory_space<vmem>>
      %dma_wait3A_477 = tpu.memref_squeeze %dma_wait3A_476 : memref<1x32x512xf32, #tpu.memory_space<vmem>> -> memref<32x512xf32, #tpu.memory_space<vmem>>
      %dma_wait3A_478 = arith.constant 0 : i32
      %dma_wait3A_479 = tpu.memref_slice %arg5[%dma_wait3A_472, %dma_wait3A_478] : memref<200x32xi32, #tpu.memory_space<vmem>> -> memref<1x32xi32, #tpu.memory_space<vmem>>
      %dma_wait3A_480 = tpu.memref_squeeze %dma_wait3A_479 : memref<1x32xi32, #tpu.memory_space<vmem>> -> memref<32xi32, #tpu.memory_space<vmem>>
      %dma_wait3A_481 = arith.constant 0 : i32
      %dma_wait3A_482 = arith.constant 0 : i32
      %dma_wait3A_483 = tpu.memref_slice %arg3[%dma_wait3A_481, %dma_wait3A_482] : memref<32768x512xf32, #tpu.memory_space<hbm>> -> memref<32768x512xf32, #tpu.memory_space<hbm>>
      tpu.wait_indirect_dma semaphore(%arg11 : memref<!tpu.dma_semaphore, #tpu.memory_space<semaphore_mem>>) src(%dma_wait3A_483 : memref<32768x512xf32, #tpu.memory_space<hbm>>) dst(%dma_wait3A_477 : memref<32x512xf32, #tpu.memory_space<vmem>>)
      %add3A_484 = arith.addi %mul3A_2, %add3A_471 : i32
      %mul3A_485 = arith.constant 32 : i32
      %mul3A_486 = arith.muli %add3A_484, %mul3A_485 : i32
      %dma_start3A_487 = arith.constant 4 : i32
      %dma_start3A_488 = arith.constant 0 : i32
      %dma_start3A_489 = arith.constant 0 : i32
      %dma_start3A_490 = tpu.memref_slice %arg6[%dma_start3A_487, %dma_start3A_488, %dma_start3A_489] : memref<5x32x512xf32, #tpu.memory_space<vmem>> -> memref<1x32x512xf32, #tpu.memory_space<vmem>>
      %dma_start3A_491 = tpu.memref_squeeze %dma_start3A_490 : memref<1x32x512xf32, #tpu.memory_space<vmem>> -> memref<32x512xf32, #tpu.memory_space<vmem>>
      %dma_start3A_492 = arith.constant 0 : i32
      %dma_start3A_493 = tpu.memref_slice %arg4[%mul3A_486, %dma_start3A_492] : memref<204800x512xf32, #tpu.memory_space<hbm>> -> memref<32x512xf32, #tpu.memory_space<hbm>>
      %dma_start3A_494 = arith.constant 0 : i32
      %dma_start3A_495 = tpu.memref_slice %arg4[%mul3A_486, %dma_start3A_494] : memref<204800x512xf32, #tpu.memory_space<hbm>> -> memref<32x512xf32, #tpu.memory_space<hbm>>
      %dma_start3A_496 = arith.constant 0 : i32
      %dma_start3A_497 = arith.constant 0 : i32
      %dma_start3A_498 = tpu.memref_slice %arg6[%dma_start3A_487, %dma_start3A_496, %dma_start3A_497] : memref<5x32x512xf32, #tpu.memory_space<vmem>> -> memref<1x32x512xf32, #tpu.memory_space<vmem>>
      %dma_start3A_499 = tpu.memref_squeeze %dma_start3A_498 : memref<1x32x512xf32, #tpu.memory_space<vmem>> -> memref<32x512xf32, #tpu.memory_space<vmem>>
      tpu.enqueue_dma source(%dma_start3A_499 : memref<32x512xf32, #tpu.memory_space<vmem>>) target(%dma_start3A_495 : memref<32x512xf32, #tpu.memory_space<hbm>>) target_semaphore(%arg16 : memref<!tpu.dma_semaphore, #tpu.memory_space<semaphore_mem>>)
      %mul3A_500 = arith.constant 32 : i32
      %mul3A_501 = arith.muli %mul3A_2, %mul3A_500 : i32
      %dma_wait3A_502 = arith.constant 3 : i32
      %dma_wait3A_503 = arith.constant 0 : i32
      %dma_wait3A_504 = arith.constant 0 : i32
      %dma_wait3A_505 = tpu.memref_slice %arg6[%dma_wait3A_502, %dma_wait3A_503, %dma_wait3A_504] : memref<5x32x512xf32, #tpu.memory_space<vmem>> -> memref<1x32x512xf32, #tpu.memory_space<vmem>>
      %dma_wait3A_506 = tpu.memref_squeeze %dma_wait3A_505 : memref<1x32x512xf32, #tpu.memory_space<vmem>> -> memref<32x512xf32, #tpu.memory_space<vmem>>
      %dma_wait3A_507 = arith.constant 0 : i32
      %dma_wait3A_508 = tpu.memref_slice %arg4[%mul3A_501, %dma_wait3A_507] : memref<204800x512xf32, #tpu.memory_space<hbm>> -> memref<32x512xf32, #tpu.memory_space<hbm>>
      %dma_wait3A_509 = arith.constant 0 : i32
      %dma_wait3A_510 = tpu.memref_slice %arg4[%mul3A_501, %dma_wait3A_509] : memref<204800x512xf32, #tpu.memory_space<hbm>> -> memref<32x512xf32, #tpu.memory_space<hbm>>
      %dma_wait3A_511 = arith.constant 0 : i32
      %dma_wait3A_512 = arith.constant 0 : i32
      %dma_wait3A_513 = tpu.memref_slice %arg6[%dma_wait3A_502, %dma_wait3A_511, %dma_wait3A_512] : memref<5x32x512xf32, #tpu.memory_space<vmem>> -> memref<1x32x512xf32, #tpu.memory_space<vmem>>
      %dma_wait3A_514 = tpu.memref_squeeze %dma_wait3A_513 : memref<1x32x512xf32, #tpu.memory_space<vmem>> -> memref<32x512xf32, #tpu.memory_space<vmem>>
      tpu.wait_dma2 semaphore(%arg15 : memref<!tpu.dma_semaphore, #tpu.memory_space<semaphore_mem>>) src(%dma_wait3A_514 : memref<32x512xf32, #tpu.memory_space<vmem>>) dst(%dma_wait3A_510 : memref<32x512xf32, #tpu.memory_space<hbm>>)
      %add3A_515 = arith.constant 5 : i32
      %add3A_516 = arith.addi %add3A_471, %add3A_515 : i32
      %sub3A_517 = arith.constant 1 : i32
      %sub3A_518 = arith.subi %add3A_516, %sub3A_517 : i32
      %dma_start3A_519 = arith.constant 3 : i32
      %dma_start3A_520 = arith.constant 0 : i32
      %dma_start3A_521 = arith.constant 0 : i32
      %dma_start3A_522 = tpu.memref_slice %arg6[%dma_start3A_519, %dma_start3A_520, %dma_start3A_521] : memref<5x32x512xf32, #tpu.memory_space<vmem>> -> memref<1x32x512xf32, #tpu.memory_space<vmem>>
      %dma_start3A_523 = tpu.memref_squeeze %dma_start3A_522 : memref<1x32x512xf32, #tpu.memory_space<vmem>> -> memref<32x512xf32, #tpu.memory_space<vmem>>
      %dma_start3A_524 = arith.constant 0 : i32
      %dma_start3A_525 = tpu.memref_slice %arg5[%sub3A_518, %dma_start3A_524] : memref<200x32xi32, #tpu.memory_space<vmem>> -> memref<1x32xi32, #tpu.memory_space<vmem>>
      %dma_start3A_526 = tpu.memref_squeeze %dma_start3A_525 : memref<1x32xi32, #tpu.memory_space<vmem>> -> memref<32xi32, #tpu.memory_space<vmem>>
      %dma_start3A_527 = arith.constant 0 : i32
      %dma_start3A_528 = arith.constant 0 : i32
      %dma_start3A_529 = tpu.memref_slice %arg3[%dma_start3A_527, %dma_start3A_528] : memref<32768x512xf32, #tpu.memory_space<hbm>> -> memref<32768x512xf32, #tpu.memory_space<hbm>>
      tpu.enqueue_indirect_dma source(%dma_start3A_529 : memref<32768x512xf32, #tpu.memory_space<hbm>>) target(%dma_start3A_523 : memref<32x512xf32, #tpu.memory_space<vmem>>) offsets(%dma_start3A_526 : memref<32xi32, #tpu.memory_space<vmem>>) semaphore(%arg10 : memref<!tpu.dma_semaphore, #tpu.memory_space<semaphore_mem>>)
      %add3A_530 = arith.constant 4 : i32
      %add3A_531 = arith.addi %add3A_290, %add3A_530 : i32
      %dma_wait3A_532 = arith.constant 0 : i32
      %dma_wait3A_533 = arith.constant 0 : i32
      %dma_wait3A_534 = arith.constant 0 : i32
      %dma_wait3A_535 = arith.constant 0 : i32
      %dma_wait3A_536 = tpu.memref_slice %arg6[%dma_wait3A_533, %dma_wait3A_534, %dma_wait3A_535] : memref<5x32x512xf32, #tpu.memory_space<vmem>> -> memref<1x32x512xf32, #tpu.memory_space<vmem>>
      %dma_wait3A_537 = tpu.memref_squeeze %dma_wait3A_536 : memref<1x32x512xf32, #tpu.memory_space<vmem>> -> memref<32x512xf32, #tpu.memory_space<vmem>>
      %dma_wait3A_538 = arith.constant 0 : i32
      %dma_wait3A_539 = tpu.memref_slice %arg5[%dma_wait3A_532, %dma_wait3A_538] : memref<200x32xi32, #tpu.memory_space<vmem>> -> memref<1x32xi32, #tpu.memory_space<vmem>>
      %dma_wait3A_540 = tpu.memref_squeeze %dma_wait3A_539 : memref<1x32xi32, #tpu.memory_space<vmem>> -> memref<32xi32, #tpu.memory_space<vmem>>
      %dma_wait3A_541 = arith.constant 0 : i32
      %dma_wait3A_542 = arith.constant 0 : i32
      %dma_wait3A_543 = tpu.memref_slice %arg3[%dma_wait3A_541, %dma_wait3A_542] : memref<32768x512xf32, #tpu.memory_space<hbm>> -> memref<32768x512xf32, #tpu.memory_space<hbm>>
      tpu.wait_indirect_dma semaphore(%arg7 : memref<!tpu.dma_semaphore, #tpu.memory_space<semaphore_mem>>) src(%dma_wait3A_543 : memref<32768x512xf32, #tpu.memory_space<hbm>>) dst(%dma_wait3A_537 : memref<32x512xf32, #tpu.memory_space<vmem>>)
      %add3A_544 = arith.addi %mul3A_2, %add3A_531 : i32
      %mul3A_545 = arith.constant 32 : i32
      %mul3A_546 = arith.muli %add3A_544, %mul3A_545 : i32
      %dma_start3A_547 = arith.constant 0 : i32
      %dma_start3A_548 = arith.constant 0 : i32
      %dma_start3A_549 = arith.constant 0 : i32
      %dma_start3A_550 = tpu.memref_slice %arg6[%dma_start3A_547, %dma_start3A_548, %dma_start3A_549] : memref<5x32x512xf32, #tpu.memory_space<vmem>> -> memref<1x32x512xf32, #tpu.memory_space<vmem>>
      %dma_start3A_551 = tpu.memref_squeeze %dma_start3A_550 : memref<1x32x512xf32, #tpu.memory_space<vmem>> -> memref<32x512xf32, #tpu.memory_space<vmem>>
      %dma_start3A_552 = arith.constant 0 : i32
      %dma_start3A_553 = tpu.memref_slice %arg4[%mul3A_546, %dma_start3A_552] : memref<204800x512xf32, #tpu.memory_space<hbm>> -> memref<32x512xf32, #tpu.memory_space<hbm>>
      %dma_start3A_554 = arith.constant 0 : i32
      %dma_start3A_555 = tpu.memref_slice %arg4[%mul3A_546, %dma_start3A_554] : memref<204800x512xf32, #tpu.memory_space<hbm>> -> memref<32x512xf32, #tpu.memory_space<hbm>>
      %dma_start3A_556 = arith.constant 0 : i32
      %dma_start3A_557 = arith.constant 0 : i32
      %dma_start3A_558 = tpu.memref_slice %arg6[%dma_start3A_547, %dma_start3A_556, %dma_start3A_557] : memref<5x32x512xf32, #tpu.memory_space<vmem>> -> memref<1x32x512xf32, #tpu.memory_space<vmem>>
      %dma_start3A_559 = tpu.memref_squeeze %dma_start3A_558 : memref<1x32x512xf32, #tpu.memory_space<vmem>> -> memref<32x512xf32, #tpu.memory_space<vmem>>
      tpu.enqueue_dma source(%dma_start3A_559 : memref<32x512xf32, #tpu.memory_space<vmem>>) target(%dma_start3A_555 : memref<32x512xf32, #tpu.memory_space<hbm>>) target_semaphore(%arg12 : memref<!tpu.dma_semaphore, #tpu.memory_space<semaphore_mem>>)
      %mul3A_560 = arith.constant 32 : i32
      %mul3A_561 = arith.muli %mul3A_2, %mul3A_560 : i32
      %dma_wait3A_562 = arith.constant 4 : i32
      %dma_wait3A_563 = arith.constant 0 : i32
      %dma_wait3A_564 = arith.constant 0 : i32
      %dma_wait3A_565 = tpu.memref_slice %arg6[%dma_wait3A_562, %dma_wait3A_563, %dma_wait3A_564] : memref<5x32x512xf32, #tpu.memory_space<vmem>> -> memref<1x32x512xf32, #tpu.memory_space<vmem>>
      %dma_wait3A_566 = tpu.memref_squeeze %dma_wait3A_565 : memref<1x32x512xf32, #tpu.memory_space<vmem>> -> memref<32x512xf32, #tpu.memory_space<vmem>>
      %dma_wait3A_567 = arith.constant 0 : i32
      %dma_wait3A_568 = tpu.memref_slice %arg4[%mul3A_561, %dma_wait3A_567] : memref<204800x512xf32, #tpu.memory_space<hbm>> -> memref<32x512xf32, #tpu.memory_space<hbm>>
      %dma_wait3A_569 = arith.constant 0 : i32
      %dma_wait3A_570 = tpu.memref_slice %arg4[%mul3A_561, %dma_wait3A_569] : memref<204800x512xf32, #tpu.memory_space<hbm>> -> memref<32x512xf32, #tpu.memory_space<hbm>>
      %dma_wait3A_571 = arith.constant 0 : i32
      %dma_wait3A_572 = arith.constant 0 : i32
      %dma_wait3A_573 = tpu.memref_slice %arg6[%dma_wait3A_562, %dma_wait3A_571, %dma_wait3A_572] : memref<5x32x512xf32, #tpu.memory_space<vmem>> -> memref<1x32x512xf32, #tpu.memory_space<vmem>>
      %dma_wait3A_574 = tpu.memref_squeeze %dma_wait3A_573 : memref<1x32x512xf32, #tpu.memory_space<vmem>> -> memref<32x512xf32, #tpu.memory_space<vmem>>
      tpu.wait_dma2 semaphore(%arg16 : memref<!tpu.dma_semaphore, #tpu.memory_space<semaphore_mem>>) src(%dma_wait3A_574 : memref<32x512xf32, #tpu.memory_space<vmem>>) dst(%dma_wait3A_570 : memref<32x512xf32, #tpu.memory_space<hbm>>)
      %add3A_575 = arith.constant 5 : i32
      %add3A_576 = arith.addi %add3A_531, %add3A_575 : i32
      %sub3A_577 = arith.constant 1 : i32
      %sub3A_578 = arith.subi %add3A_576, %sub3A_577 : i32
      %dma_start3A_579 = arith.constant 4 : i32
      %dma_start3A_580 = arith.constant 0 : i32
      %dma_start3A_581 = arith.constant 0 : i32
      %dma_start3A_582 = tpu.memref_slice %arg6[%dma_start3A_579, %dma_start3A_580, %dma_start3A_581] : memref<5x32x512xf32, #tpu.memory_space<vmem>> -> memref<1x32x512xf32, #tpu.memory_space<vmem>>
      %dma_start3A_583 = tpu.memref_squeeze %dma_start3A_582 : memref<1x32x512xf32, #tpu.memory_space<vmem>> -> memref<32x512xf32, #tpu.memory_space<vmem>>
      %dma_start3A_584 = arith.constant 0 : i32
      %dma_start3A_585 = tpu.memref_slice %arg5[%sub3A_578, %dma_start3A_584] : memref<200x32xi32, #tpu.memory_space<vmem>> -> memref<1x32xi32, #tpu.memory_space<vmem>>
      %dma_start3A_586 = tpu.memref_squeeze %dma_start3A_585 : memref<1x32xi32, #tpu.memory_space<vmem>> -> memref<32xi32, #tpu.memory_space<vmem>>
      %dma_start3A_587 = arith.constant 0 : i32
      %dma_start3A_588 = arith.constant 0 : i32
      %dma_start3A_589 = tpu.memref_slice %arg3[%dma_start3A_587, %dma_start3A_588] : memref<32768x512xf32, #tpu.memory_space<hbm>> -> memref<32768x512xf32, #tpu.memory_space<hbm>>
      tpu.enqueue_indirect_dma source(%dma_start3A_589 : memref<32768x512xf32, #tpu.memory_space<hbm>>) target(%dma_start3A_583 : memref<32x512xf32, #tpu.memory_space<vmem>>) offsets(%dma_start3A_586 : memref<32xi32, #tpu.memory_space<vmem>>) semaphore(%arg11 : memref<!tpu.dma_semaphore, #tpu.memory_space<semaphore_mem>>)
    }
    %scan3A_94 = arith.constant 39 : i32
    %dma_wait3A_95 = arith.constant 0 : i32
    %dma_wait3A_96 = arith.constant 1 : i32
    %dma_wait3A_97 = arith.constant 0 : i32
    %dma_wait3A_98 = arith.constant 0 : i32
    %dma_wait3A_99 = tpu.memref_slice %arg6[%dma_wait3A_96, %dma_wait3A_97, %dma_wait3A_98] : memref<5x32x512xf32, #tpu.memory_space<vmem>> -> memref<1x32x512xf32, #tpu.memory_space<vmem>>
    %dma_wait3A_100 = tpu.memref_squeeze %dma_wait3A_99 : memref<1x32x512xf32, #tpu.memory_space<vmem>> -> memref<32x512xf32, #tpu.memory_space<vmem>>
    %dma_wait3A_101 = arith.constant 0 : i32
    %dma_wait3A_102 = tpu.memref_slice %arg5[%dma_wait3A_95, %dma_wait3A_101] : memref<200x32xi32, #tpu.memory_space<vmem>> -> memref<1x32xi32, #tpu.memory_space<vmem>>
    %dma_wait3A_103 = tpu.memref_squeeze %dma_wait3A_102 : memref<1x32xi32, #tpu.memory_space<vmem>> -> memref<32xi32, #tpu.memory_space<vmem>>
    %dma_wait3A_104 = arith.constant 0 : i32
    %dma_wait3A_105 = arith.constant 0 : i32
    %dma_wait3A_106 = tpu.memref_slice %arg3[%dma_wait3A_104, %dma_wait3A_105] : memref<32768x512xf32, #tpu.memory_space<hbm>> -> memref<32768x512xf32, #tpu.memory_space<hbm>>
    tpu.wait_indirect_dma semaphore(%arg8 : memref<!tpu.dma_semaphore, #tpu.memory_space<semaphore_mem>>) src(%dma_wait3A_106 : memref<32768x512xf32, #tpu.memory_space<hbm>>) dst(%dma_wait3A_100 : memref<32x512xf32, #tpu.memory_space<vmem>>)
    %add3A_107 = arith.constant 196 : i32
    %add3A_108 = arith.addi %mul3A_2, %add3A_107 : i32
    %mul3A_109 = arith.constant 32 : i32
    %mul3A_110 = arith.muli %add3A_108, %mul3A_109 : i32
    %dma_start3A_111 = arith.constant 1 : i32
    %dma_start3A_112 = arith.constant 0 : i32
    %dma_start3A_113 = arith.constant 0 : i32
    %dma_start3A_114 = tpu.memref_slice %arg6[%dma_start3A_111, %dma_start3A_112, %dma_start3A_113] : memref<5x32x512xf32, #tpu.memory_space<vmem>> -> memref<1x32x512xf32, #tpu.memory_space<vmem>>
    %dma_start3A_115 = tpu.memref_squeeze %dma_start3A_114 : memref<1x32x512xf32, #tpu.memory_space<vmem>> -> memref<32x512xf32, #tpu.memory_space<vmem>>
    %dma_start3A_116 = arith.constant 0 : i32
    %dma_start3A_117 = tpu.memref_slice %arg4[%mul3A_110, %dma_start3A_116] : memref<204800x512xf32, #tpu.memory_space<hbm>> -> memref<32x512xf32, #tpu.memory_space<hbm>>
    %dma_start3A_118 = arith.constant 0 : i32
    %dma_start3A_119 = tpu.memref_slice %arg4[%mul3A_110, %dma_start3A_118] : memref<204800x512xf32, #tpu.memory_space<hbm>> -> memref<32x512xf32, #tpu.memory_space<hbm>>
    %dma_start3A_120 = arith.constant 0 : i32
    %dma_start3A_121 = arith.constant 0 : i32
    %dma_start3A_122 = tpu.memref_slice %arg6[%dma_start3A_111, %dma_start3A_120, %dma_start3A_121] : memref<5x32x512xf32, #tpu.memory_space<vmem>> -> memref<1x32x512xf32, #tpu.memory_space<vmem>>
    %dma_start3A_123 = tpu.memref_squeeze %dma_start3A_122 : memref<1x32x512xf32, #tpu.memory_space<vmem>> -> memref<32x512xf32, #tpu.memory_space<vmem>>
    tpu.enqueue_dma source(%dma_start3A_123 : memref<32x512xf32, #tpu.memory_space<vmem>>) target(%dma_start3A_119 : memref<32x512xf32, #tpu.memory_space<hbm>>) target_semaphore(%arg13 : memref<!tpu.dma_semaphore, #tpu.memory_space<semaphore_mem>>)
    %dma_wait3A_124 = arith.constant 0 : i32
    %dma_wait3A_125 = arith.constant 2 : i32
    %dma_wait3A_126 = arith.constant 0 : i32
    %dma_wait3A_127 = arith.constant 0 : i32
    %dma_wait3A_128 = tpu.memref_slice %arg6[%dma_wait3A_125, %dma_wait3A_126, %dma_wait3A_127] : memref<5x32x512xf32, #tpu.memory_space<vmem>> -> memref<1x32x512xf32, #tpu.memory_space<vmem>>
    %dma_wait3A_129 = tpu.memref_squeeze %dma_wait3A_128 : memref<1x32x512xf32, #tpu.memory_space<vmem>> -> memref<32x512xf32, #tpu.memory_space<vmem>>
    %dma_wait3A_130 = arith.constant 0 : i32
    %dma_wait3A_131 = tpu.memref_slice %arg5[%dma_wait3A_124, %dma_wait3A_130] : memref<200x32xi32, #tpu.memory_space<vmem>> -> memref<1x32xi32, #tpu.memory_space<vmem>>
    %dma_wait3A_132 = tpu.memref_squeeze %dma_wait3A_131 : memref<1x32xi32, #tpu.memory_space<vmem>> -> memref<32xi32, #tpu.memory_space<vmem>>
    %dma_wait3A_133 = arith.constant 0 : i32
    %dma_wait3A_134 = arith.constant 0 : i32
    %dma_wait3A_135 = tpu.memref_slice %arg3[%dma_wait3A_133, %dma_wait3A_134] : memref<32768x512xf32, #tpu.memory_space<hbm>> -> memref<32768x512xf32, #tpu.memory_space<hbm>>
    tpu.wait_indirect_dma semaphore(%arg9 : memref<!tpu.dma_semaphore, #tpu.memory_space<semaphore_mem>>) src(%dma_wait3A_135 : memref<32768x512xf32, #tpu.memory_space<hbm>>) dst(%dma_wait3A_129 : memref<32x512xf32, #tpu.memory_space<vmem>>)
    %add3A_136 = arith.constant 197 : i32
    %add3A_137 = arith.addi %mul3A_2, %add3A_136 : i32
    %mul3A_138 = arith.constant 32 : i32
    %mul3A_139 = arith.muli %add3A_137, %mul3A_138 : i32
    %dma_start3A_140 = arith.constant 2 : i32
    %dma_start3A_141 = arith.constant 0 : i32
    %dma_start3A_142 = arith.constant 0 : i32
    %dma_start3A_143 = tpu.memref_slice %arg6[%dma_start3A_140, %dma_start3A_141, %dma_start3A_142] : memref<5x32x512xf32, #tpu.memory_space<vmem>> -> memref<1x32x512xf32, #tpu.memory_space<vmem>>
    %dma_start3A_144 = tpu.memref_squeeze %dma_start3A_143 : memref<1x32x512xf32, #tpu.memory_space<vmem>> -> memref<32x512xf32, #tpu.memory_space<vmem>>
    %dma_start3A_145 = arith.constant 0 : i32
    %dma_start3A_146 = tpu.memref_slice %arg4[%mul3A_139, %dma_start3A_145] : memref<204800x512xf32, #tpu.memory_space<hbm>> -> memref<32x512xf32, #tpu.memory_space<hbm>>
    %dma_start3A_147 = arith.constant 0 : i32
    %dma_start3A_148 = tpu.memref_slice %arg4[%mul3A_139, %dma_start3A_147] : memref<204800x512xf32, #tpu.memory_space<hbm>> -> memref<32x512xf32, #tpu.memory_space<hbm>>
    %dma_start3A_149 = arith.constant 0 : i32
    %dma_start3A_150 = arith.constant 0 : i32
    %dma_start3A_151 = tpu.memref_slice %arg6[%dma_start3A_140, %dma_start3A_149, %dma_start3A_150] : memref<5x32x512xf32, #tpu.memory_space<vmem>> -> memref<1x32x512xf32, #tpu.memory_space<vmem>>
    %dma_start3A_152 = tpu.memref_squeeze %dma_start3A_151 : memref<1x32x512xf32, #tpu.memory_space<vmem>> -> memref<32x512xf32, #tpu.memory_space<vmem>>
    tpu.enqueue_dma source(%dma_start3A_152 : memref<32x512xf32, #tpu.memory_space<vmem>>) target(%dma_start3A_148 : memref<32x512xf32, #tpu.memory_space<hbm>>) target_semaphore(%arg14 : memref<!tpu.dma_semaphore, #tpu.memory_space<semaphore_mem>>)
    %dma_wait3A_153 = arith.constant 0 : i32
    %dma_wait3A_154 = arith.constant 3 : i32
    %dma_wait3A_155 = arith.constant 0 : i32
    %dma_wait3A_156 = arith.constant 0 : i32
    %dma_wait3A_157 = tpu.memref_slice %arg6[%dma_wait3A_154, %dma_wait3A_155, %dma_wait3A_156] : memref<5x32x512xf32, #tpu.memory_space<vmem>> -> memref<1x32x512xf32, #tpu.memory_space<vmem>>
    %dma_wait3A_158 = tpu.memref_squeeze %dma_wait3A_157 : memref<1x32x512xf32, #tpu.memory_space<vmem>> -> memref<32x512xf32, #tpu.memory_space<vmem>>
    %dma_wait3A_159 = arith.constant 0 : i32
    %dma_wait3A_160 = tpu.memref_slice %arg5[%dma_wait3A_153, %dma_wait3A_159] : memref<200x32xi32, #tpu.memory_space<vmem>> -> memref<1x32xi32, #tpu.memory_space<vmem>>
    %dma_wait3A_161 = tpu.memref_squeeze %dma_wait3A_160 : memref<1x32xi32, #tpu.memory_space<vmem>> -> memref<32xi32, #tpu.memory_space<vmem>>
    %dma_wait3A_162 = arith.constant 0 : i32
    %dma_wait3A_163 = arith.constant 0 : i32
    %dma_wait3A_164 = tpu.memref_slice %arg3[%dma_wait3A_162, %dma_wait3A_163] : memref<32768x512xf32, #tpu.memory_space<hbm>> -> memref<32768x512xf32, #tpu.memory_space<hbm>>
    tpu.wait_indirect_dma semaphore(%arg10 : memref<!tpu.dma_semaphore, #tpu.memory_space<semaphore_mem>>) src(%dma_wait3A_164 : memref<32768x512xf32, #tpu.memory_space<hbm>>) dst(%dma_wait3A_158 : memref<32x512xf32, #tpu.memory_space<vmem>>)
    %add3A_165 = arith.constant 198 : i32
    %add3A_166 = arith.addi %mul3A_2, %add3A_165 : i32
    %mul3A_167 = arith.constant 32 : i32
    %mul3A_168 = arith.muli %add3A_166, %mul3A_167 : i32
    %dma_start3A_169 = arith.constant 3 : i32
    %dma_start3A_170 = arith.constant 0 : i32
    %dma_start3A_171 = arith.constant 0 : i32
    %dma_start3A_172 = tpu.memref_slice %arg6[%dma_start3A_169, %dma_start3A_170, %dma_start3A_171] : memref<5x32x512xf32, #tpu.memory_space<vmem>> -> memref<1x32x512xf32, #tpu.memory_space<vmem>>
    %dma_start3A_173 = tpu.memref_squeeze %dma_start3A_172 : memref<1x32x512xf32, #tpu.memory_space<vmem>> -> memref<32x512xf32, #tpu.memory_space<vmem>>
    %dma_start3A_174 = arith.constant 0 : i32
    %dma_start3A_175 = tpu.memref_slice %arg4[%mul3A_168, %dma_start3A_174] : memref<204800x512xf32, #tpu.memory_space<hbm>> -> memref<32x512xf32, #tpu.memory_space<hbm>>
    %dma_start3A_176 = arith.constant 0 : i32
    %dma_start3A_177 = tpu.memref_slice %arg4[%mul3A_168, %dma_start3A_176] : memref<204800x512xf32, #tpu.memory_space<hbm>> -> memref<32x512xf32, #tpu.memory_space<hbm>>
    %dma_start3A_178 = arith.constant 0 : i32
    %dma_start3A_179 = arith.constant 0 : i32
    %dma_start3A_180 = tpu.memref_slice %arg6[%dma_start3A_169, %dma_start3A_178, %dma_start3A_179] : memref<5x32x512xf32, #tpu.memory_space<vmem>> -> memref<1x32x512xf32, #tpu.memory_space<vmem>>
    %dma_start3A_181 = tpu.memref_squeeze %dma_start3A_180 : memref<1x32x512xf32, #tpu.memory_space<vmem>> -> memref<32x512xf32, #tpu.memory_space<vmem>>
    tpu.enqueue_dma source(%dma_start3A_181 : memref<32x512xf32, #tpu.memory_space<vmem>>) target(%dma_start3A_177 : memref<32x512xf32, #tpu.memory_space<hbm>>) target_semaphore(%arg15 : memref<!tpu.dma_semaphore, #tpu.memory_space<semaphore_mem>>)
    %dma_wait3A_182 = arith.constant 0 : i32
    %dma_wait3A_183 = arith.constant 4 : i32
    %dma_wait3A_184 = arith.constant 0 : i32
    %dma_wait3A_185 = arith.constant 0 : i32
    %dma_wait3A_186 = tpu.memref_slice %arg6[%dma_wait3A_183, %dma_wait3A_184, %dma_wait3A_185] : memref<5x32x512xf32, #tpu.memory_space<vmem>> -> memref<1x32x512xf32, #tpu.memory_space<vmem>>
    %dma_wait3A_187 = tpu.memref_squeeze %dma_wait3A_186 : memref<1x32x512xf32, #tpu.memory_space<vmem>> -> memref<32x512xf32, #tpu.memory_space<vmem>>
    %dma_wait3A_188 = arith.constant 0 : i32
    %dma_wait3A_189 = tpu.memref_slice %arg5[%dma_wait3A_182, %dma_wait3A_188] : memref<200x32xi32, #tpu.memory_space<vmem>> -> memref<1x32xi32, #tpu.memory_space<vmem>>
    %dma_wait3A_190 = tpu.memref_squeeze %dma_wait3A_189 : memref<1x32xi32, #tpu.memory_space<vmem>> -> memref<32xi32, #tpu.memory_space<vmem>>
    %dma_wait3A_191 = arith.constant 0 : i32
    %dma_wait3A_192 = arith.constant 0 : i32
    %dma_wait3A_193 = tpu.memref_slice %arg3[%dma_wait3A_191, %dma_wait3A_192] : memref<32768x512xf32, #tpu.memory_space<hbm>> -> memref<32768x512xf32, #tpu.memory_space<hbm>>
    tpu.wait_indirect_dma semaphore(%arg11 : memref<!tpu.dma_semaphore, #tpu.memory_space<semaphore_mem>>) src(%dma_wait3A_193 : memref<32768x512xf32, #tpu.memory_space<hbm>>) dst(%dma_wait3A_187 : memref<32x512xf32, #tpu.memory_space<vmem>>)
    %add3A_194 = arith.constant 199 : i32
    %add3A_195 = arith.addi %mul3A_2, %add3A_194 : i32
    %mul3A_196 = arith.constant 32 : i32
    %mul3A_197 = arith.muli %add3A_195, %mul3A_196 : i32
    %dma_start3A_198 = arith.constant 4 : i32
    %dma_start3A_199 = arith.constant 0 : i32
    %dma_start3A_200 = arith.constant 0 : i32
    %dma_start3A_201 = tpu.memref_slice %arg6[%dma_start3A_198, %dma_start3A_199, %dma_start3A_200] : memref<5x32x512xf32, #tpu.memory_space<vmem>> -> memref<1x32x512xf32, #tpu.memory_space<vmem>>
    %dma_start3A_202 = tpu.memref_squeeze %dma_start3A_201 : memref<1x32x512xf32, #tpu.memory_space<vmem>> -> memref<32x512xf32, #tpu.memory_space<vmem>>
    %dma_start3A_203 = arith.constant 0 : i32
    %dma_start3A_204 = tpu.memref_slice %arg4[%mul3A_197, %dma_start3A_203] : memref<204800x512xf32, #tpu.memory_space<hbm>> -> memref<32x512xf32, #tpu.memory_space<hbm>>
    %dma_start3A_205 = arith.constant 0 : i32
    %dma_start3A_206 = tpu.memref_slice %arg4[%mul3A_197, %dma_start3A_205] : memref<204800x512xf32, #tpu.memory_space<hbm>> -> memref<32x512xf32, #tpu.memory_space<hbm>>
    %dma_start3A_207 = arith.constant 0 : i32
    %dma_start3A_208 = arith.constant 0 : i32
    %dma_start3A_209 = tpu.memref_slice %arg6[%dma_start3A_198, %dma_start3A_207, %dma_start3A_208] : memref<5x32x512xf32, #tpu.memory_space<vmem>> -> memref<1x32x512xf32, #tpu.memory_space<vmem>>
    %dma_start3A_210 = tpu.memref_squeeze %dma_start3A_209 : memref<1x32x512xf32, #tpu.memory_space<vmem>> -> memref<32x512xf32, #tpu.memory_space<vmem>>
    tpu.enqueue_dma source(%dma_start3A_210 : memref<32x512xf32, #tpu.memory_space<vmem>>) target(%dma_start3A_206 : memref<32x512xf32, #tpu.memory_space<hbm>>) target_semaphore(%arg16 : memref<!tpu.dma_semaphore, #tpu.memory_space<semaphore_mem>>)
    %mul3A_211 = arith.constant 32 : i32
    %mul3A_212 = arith.muli %mul3A_2, %mul3A_211 : i32
    %dma_wait3A_213 = arith.constant 0 : i32
    %dma_wait3A_214 = arith.constant 0 : i32
    %dma_wait3A_215 = arith.constant 0 : i32
    %dma_wait3A_216 = tpu.memref_slice %arg6[%dma_wait3A_213, %dma_wait3A_214, %dma_wait3A_215] : memref<5x32x512xf32, #tpu.memory_space<vmem>> -> memref<1x32x512xf32, #tpu.memory_space<vmem>>
    %dma_wait3A_217 = tpu.memref_squeeze %dma_wait3A_216 : memref<1x32x512xf32, #tpu.memory_space<vmem>> -> memref<32x512xf32, #tpu.memory_space<vmem>>
    %dma_wait3A_218 = arith.constant 0 : i32
    %dma_wait3A_219 = tpu.memref_slice %arg4[%mul3A_212, %dma_wait3A_218] : memref<204800x512xf32, #tpu.memory_space<hbm>> -> memref<32x512xf32, #tpu.memory_space<hbm>>
    %dma_wait3A_220 = arith.constant 0 : i32
    %dma_wait3A_221 = tpu.memref_slice %arg4[%mul3A_212, %dma_wait3A_220] : memref<204800x512xf32, #tpu.memory_space<hbm>> -> memref<32x512xf32, #tpu.memory_space<hbm>>
    %dma_wait3A_222 = arith.constant 0 : i32
    %dma_wait3A_223 = arith.constant 0 : i32
    %dma_wait3A_224 = tpu.memref_slice %arg6[%dma_wait3A_213, %dma_wait3A_222, %dma_wait3A_223] : memref<5x32x512xf32, #tpu.memory_space<vmem>> -> memref<1x32x512xf32, #tpu.memory_space<vmem>>
    %dma_wait3A_225 = tpu.memref_squeeze %dma_wait3A_224 : memref<1x32x512xf32, #tpu.memory_space<vmem>> -> memref<32x512xf32, #tpu.memory_space<vmem>>
    tpu.wait_dma2 semaphore(%arg12 : memref<!tpu.dma_semaphore, #tpu.memory_space<semaphore_mem>>) src(%dma_wait3A_225 : memref<32x512xf32, #tpu.memory_space<vmem>>) dst(%dma_wait3A_221 : memref<32x512xf32, #tpu.memory_space<hbm>>)
    %mul3A_226 = arith.constant 32 : i32
    %mul3A_227 = arith.muli %mul3A_2, %mul3A_226 : i32
    %dma_wait3A_228 = arith.constant 1 : i32
    %dma_wait3A_229 = arith.constant 0 : i32
    %dma_wait3A_230 = arith.constant 0 : i32
    %dma_wait3A_231 = tpu.memref_slice %arg6[%dma_wait3A_228, %dma_wait3A_229, %dma_wait3A_230] : memref<5x32x512xf32, #tpu.memory_space<vmem>> -> memref<1x32x512xf32, #tpu.memory_space<vmem>>
    %dma_wait3A_232 = tpu.memref_squeeze %dma_wait3A_231 : memref<1x32x512xf32, #tpu.memory_space<vmem>> -> memref<32x512xf32, #tpu.memory_space<vmem>>
    %dma_wait3A_233 = arith.constant 0 : i32
    %dma_wait3A_234 = tpu.memref_slice %arg4[%mul3A_227, %dma_wait3A_233] : memref<204800x512xf32, #tpu.memory_space<hbm>> -> memref<32x512xf32, #tpu.memory_space<hbm>>
    %dma_wait3A_235 = arith.constant 0 : i32
    %dma_wait3A_236 = tpu.memref_slice %arg4[%mul3A_227, %dma_wait3A_235] : memref<204800x512xf32, #tpu.memory_space<hbm>> -> memref<32x512xf32, #tpu.memory_space<hbm>>
    %dma_wait3A_237 = arith.constant 0 : i32
    %dma_wait3A_238 = arith.constant 0 : i32
    %dma_wait3A_239 = tpu.memref_slice %arg6[%dma_wait3A_228, %dma_wait3A_237, %dma_wait3A_238] : memref<5x32x512xf32, #tpu.memory_space<vmem>> -> memref<1x32x512xf32, #tpu.memory_space<vmem>>
    %dma_wait3A_240 = tpu.memref_squeeze %dma_wait3A_239 : memref<1x32x512xf32, #tpu.memory_space<vmem>> -> memref<32x512xf32, #tpu.memory_space<vmem>>
    tpu.wait_dma2 semaphore(%arg13 : memref<!tpu.dma_semaphore, #tpu.memory_space<semaphore_mem>>) src(%dma_wait3A_240 : memref<32x512xf32, #tpu.memory_space<vmem>>) dst(%dma_wait3A_236 : memref<32x512xf32, #tpu.memory_space<hbm>>)
    %mul3A_241 = arith.constant 32 : i32
    %mul3A_242 = arith.muli %mul3A_2, %mul3A_241 : i32
    %dma_wait3A_243 = arith.constant 2 : i32
    %dma_wait3A_244 = arith.constant 0 : i32
    %dma_wait3A_245 = arith.constant 0 : i32
    %dma_wait3A_246 = tpu.memref_slice %arg6[%dma_wait3A_243, %dma_wait3A_244, %dma_wait3A_245] : memref<5x32x512xf32, #tpu.memory_space<vmem>> -> memref<1x32x512xf32, #tpu.memory_space<vmem>>
    %dma_wait3A_247 = tpu.memref_squeeze %dma_wait3A_246 : memref<1x32x512xf32, #tpu.memory_space<vmem>> -> memref<32x512xf32, #tpu.memory_space<vmem>>
    %dma_wait3A_248 = arith.constant 0 : i32
    %dma_wait3A_249 = tpu.memref_slice %arg4[%mul3A_242, %dma_wait3A_248] : memref<204800x512xf32, #tpu.memory_space<hbm>> -> memref<32x512xf32, #tpu.memory_space<hbm>>
    %dma_wait3A_250 = arith.constant 0 : i32
    %dma_wait3A_251 = tpu.memref_slice %arg4[%mul3A_242, %dma_wait3A_250] : memref<204800x512xf32, #tpu.memory_space<hbm>> -> memref<32x512xf32, #tpu.memory_space<hbm>>
    %dma_wait3A_252 = arith.constant 0 : i32
    %dma_wait3A_253 = arith.constant 0 : i32
    %dma_wait3A_254 = tpu.memref_slice %arg6[%dma_wait3A_243, %dma_wait3A_252, %dma_wait3A_253] : memref<5x32x512xf32, #tpu.memory_space<vmem>> -> memref<1x32x512xf32, #tpu.memory_space<vmem>>
    %dma_wait3A_255 = tpu.memref_squeeze %dma_wait3A_254 : memref<1x32x512xf32, #tpu.memory_space<vmem>> -> memref<32x512xf32, #tpu.memory_space<vmem>>
    tpu.wait_dma2 semaphore(%arg14 : memref<!tpu.dma_semaphore, #tpu.memory_space<semaphore_mem>>) src(%dma_wait3A_255 : memref<32x512xf32, #tpu.memory_space<vmem>>) dst(%dma_wait3A_251 : memref<32x512xf32, #tpu.memory_space<hbm>>)
    %mul3A_256 = arith.constant 32 : i32
    %mul3A_257 = arith.muli %mul3A_2, %mul3A_256 : i32
    %dma_wait3A_258 = arith.constant 3 : i32
    %dma_wait3A_259 = arith.constant 0 : i32
    %dma_wait3A_260 = arith.constant 0 : i32
    %dma_wait3A_261 = tpu.memref_slice %arg6[%dma_wait3A_258, %dma_wait3A_259, %dma_wait3A_260] : memref<5x32x512xf32, #tpu.memory_space<vmem>> -> memref<1x32x512xf32, #tpu.memory_space<vmem>>
    %dma_wait3A_262 = tpu.memref_squeeze %dma_wait3A_261 : memref<1x32x512xf32, #tpu.memory_space<vmem>> -> memref<32x512xf32, #tpu.memory_space<vmem>>
    %dma_wait3A_263 = arith.constant 0 : i32
    %dma_wait3A_264 = tpu.memref_slice %arg4[%mul3A_257, %dma_wait3A_263] : memref<204800x512xf32, #tpu.memory_space<hbm>> -> memref<32x512xf32, #tpu.memory_space<hbm>>
    %dma_wait3A_265 = arith.constant 0 : i32
    %dma_wait3A_266 = tpu.memref_slice %arg4[%mul3A_257, %dma_wait3A_265] : memref<204800x512xf32, #tpu.memory_space<hbm>> -> memref<32x512xf32, #tpu.memory_space<hbm>>
    %dma_wait3A_267 = arith.constant 0 : i32
    %dma_wait3A_268 = arith.constant 0 : i32
    %dma_wait3A_269 = tpu.memref_slice %arg6[%dma_wait3A_258, %dma_wait3A_267, %dma_wait3A_268] : memref<5x32x512xf32, #tpu.memory_space<vmem>> -> memref<1x32x512xf32, #tpu.memory_space<vmem>>
    %dma_wait3A_270 = tpu.memref_squeeze %dma_wait3A_269 : memref<1x32x512xf32, #tpu.memory_space<vmem>> -> memref<32x512xf32, #tpu.memory_space<vmem>>
    tpu.wait_dma2 semaphore(%arg15 : memref<!tpu.dma_semaphore, #tpu.memory_space<semaphore_mem>>) src(%dma_wait3A_270 : memref<32x512xf32, #tpu.memory_space<vmem>>) dst(%dma_wait3A_266 : memref<32x512xf32, #tpu.memory_space<hbm>>)
    %mul3A_271 = arith.constant 32 : i32
    %mul3A_272 = arith.muli %mul3A_2, %mul3A_271 : i32
    %dma_wait3A_273 = arith.constant 4 : i32
    %dma_wait3A_274 = arith.constant 0 : i32
    %dma_wait3A_275 = arith.constant 0 : i32
    %dma_wait3A_276 = tpu.memref_slice %arg6[%dma_wait3A_273, %dma_wait3A_274, %dma_wait3A_275] : memref<5x32x512xf32, #tpu.memory_space<vmem>> -> memref<1x32x512xf32, #tpu.memory_space<vmem>>
    %dma_wait3A_277 = tpu.memref_squeeze %dma_wait3A_276 : memref<1x32x512xf32, #tpu.memory_space<vmem>> -> memref<32x512xf32, #tpu.memory_space<vmem>>
    %dma_wait3A_278 = arith.constant 0 : i32
    %dma_wait3A_279 = tpu.memref_slice %arg4[%mul3A_272, %dma_wait3A_278] : memref<204800x512xf32, #tpu.memory_space<hbm>> -> memref<32x512xf32, #tpu.memory_space<hbm>>
    %dma_wait3A_280 = arith.constant 0 : i32
    %dma_wait3A_281 = tpu.memref_slice %arg4[%mul3A_272, %dma_wait3A_280] : memref<204800x512xf32, #tpu.memory_space<hbm>> -> memref<32x512xf32, #tpu.memory_space<hbm>>
    %dma_wait3A_282 = arith.constant 0 : i32
    %dma_wait3A_283 = arith.constant 0 : i32
    %dma_wait3A_284 = tpu.memref_slice %arg6[%dma_wait3A_273, %dma_wait3A_282, %dma_wait3A_283] : memref<5x32x512xf32, #tpu.memory_space<vmem>> -> memref<1x32x512xf32, #tpu.memory_space<vmem>>
    %dma_wait3A_285 = tpu.memref_squeeze %dma_wait3A_284 : memref<1x32x512xf32, #tpu.memory_space<vmem>> -> memref<32x512xf32, #tpu.memory_space<vmem>>
    tpu.wait_dma2 semaphore(%arg16 : memref<!tpu.dma_semaphore, #tpu.memory_space<semaphore_mem>>) src(%dma_wait3A_285 : memref<32x512xf32, #tpu.memory_space<vmem>>) dst(%dma_wait3A_281 : memref<32x512xf32, #tpu.memory_space<hbm>>)
    return
  }
}

</mosaic_0001>

<sc_bundles>
// kernel: kernel.3.cloned.1.call-start
scs
__scs_entry_jumppad:
0x0: {  	(pc) =	sbr.rel $0x88, $3  }
0x1: {  	(tag) =	ssettag $0x0;
	lr =	simm.s32 $0x1  }
0x2: {  	[smem:$0x3F9F] =	sst lr;
	_ =	strace $0xD0000000  }
0x3: {  	_ = 	snop  }
0x4: {  	_ = 	snop  }
0x5: {  	_ = 	snop  }
0x6: {  	_ = 	snop  }
0x7: {  	_ = 	snop  }
__scs_overlays_trampoline_lowered:
0x8: {  	[smem:$0x3FAE] =	sst s0  }
0x9: {  	[smem:$0x3FAF] =	sst s1  }
0xa: {  	[smem:$0x3FB0] =	sst s2  }
0xb: {  	[smem:$0x3FB1] =	sst s3  }
0xc: {  	[smem:$0x3FB2] =	sst s4  }
0xd: {  	[smem:$0x3FB3] =	sst s5  }
0xe: {  	[smem:$0x3FB4] =	sst s6  }
0xf: {  	[smem:$0x3FB5] =	sst s7  }
0x10: {  	[smem:$0x3FB6] =	sst s8  }
0x11: {  	[smem:$0x3FB7] =	sst s9;
	s0 =	simm.s32 @!p0 $0x0  }
0x12: {  	s1 =	sld [smem:$0x3F9D];
	s0 =	simm.s32 @p0 $0x1  }
0x13: {  	[smem:$0x3FB8] =	sst s0;
	s0 =	simm.s32 @!p1 $0x0  }
0x14: {  	s2 =	sld [smem:$0x3F9C];
	s0 =	simm.s32 @p1 $0x1  }
0x15: {  	[smem:$0x3FB9] =	sst s0;
	s0 =	simm.s32 @!p2 $0x0  }
0x16: {  	s3 =	sld [smem:$0x3FDB];
	s0 =	simm.s32 @p2 $0x1  }
0x17: {  	s4 =	simm.s32 $0x1BF5;
	[smem:$0x3FBB] =	sst s0  }
0x18: {  	s0 =	sld [smem:$0x3F9E];
	_ =	swait.ge [sflag:s4], $0x0  }
0x19: {  	s7 =	sld [smem:$0x3F9F]  }
0x1a: {  	s8 =	sadd.s32 $0xFFFFE003, lr  }
0x1b: {  	s9 =	sadd.s32 $0xFFFFFEF7, lr;
	s5 =	simm.s32 $0xFFFFFFFF;
	p2 =	slt.u32 s8, $0xFFFFF086  }
0x1c: {  	p1 =	slt.u32 s9, $0xF7A;
	s5 =	simm.s32 @!p2 $0x0  }
0x1d: {  	s5 =	simm.s32 @p1 $0x1;
	p0 =	seq.s32 s7, s2  }
0x1e: {  	s7 =	smul.u32 @!p0 $0xF7A, s2;
	p2 =	seq.s32 @!p0 s5, $0x0  }
0x1f: {  	s9 =	smul.u32 $0xF7A, s1;
	s8 =	simm.s32 @!p0 $0x1BF5;
	p2 =	por !p2, p0  }
0x20: {  	[sflag:s8] =	ssyncset.s32 @!p0 $0xFFFFF086;
	s6 =	sadd.s32 @!p0 s3, s7;
	s7 =	simm.s32 @!p0 $0x108  }
0x21: {  	s3 =	sadd.s32 s3, s9;
	s6 =	sadd.s32 @!p0 $0x88, s6;
	s7 =	simm.s32 @p2 $0x1082  }
0x22: {  	[simem:s7], [sflag:s8] =	dma.local @!p0 [hbm:s6], $0xF7A  }
0x23: {  	s9 =	sor.u32 $0xD0000000, s2;
	s6 =	simm.s32 $0x108;
	_ =	swait.ge @!p0 [sflag:s8], $0x0  }
0x24: {  	s3 =	sadd.s32 $0x88, s3;
	s6 =	simm.s32 @!p1 $0x1082;
	[sflag:s4] =	ssyncset.s32 $0xFFFFF086  }
0x25: {  	[simem:s6], [sflag:s4] =	dma.local [hbm:s3], $0xF7A  }
0x26: {  	[smem:$0x3F9F] =	sst s1;
	(tag) =	ssettag s2;
	_ =	strace s9  }
0x27: {  	s1 =	sld [smem:$0x3FAF]  }
0x28: {  	s2 =	sld [smem:$0x3FB0]  }
0x29: {  	s4 =	sld [smem:$0x3FB2]  }
0x2a: {  	p0 =	seq.s32 s5, $0x0;
	s5 =	sld [smem:$0x3FB3]  }
0x2b: {  	s6 =	sld [smem:$0x3FB4]  }
0x2c: {  	s7 =	sld [smem:$0x3FB5]  }
0x2d: {  	s3 =	simm.s32 $0x108;
	s8 =	sld [smem:$0x3FB6]  }
0x2e: {  	s3 =	simm.s32 @!p0 $0x1082;
	s9 =	sld [smem:$0x3FB7]  }
0x2f: {  	lr =	sadd.s32 s0, s3;
	s0 =	sld [smem:$0x3FAE]  }
0x30: {  	s3 =	sld [smem:$0x3FB1]  }
0x31: {  	[smem:$0x3FBA] =	sst s10  }
0x32: {  	s10 =	sld [smem:$0x3FB8];
	_ =	sdelay $0x3  }
0x33: {  	p0 =	seq.s32 s10, $0x1;
	s10 =	sld [smem:$0x3FBA];
	_ =	sdelay $0x3  }
0x34: {  	[smem:$0x3FBA] =	sst s10  }
0x35: {  	s10 =	sld [smem:$0x3FB9];
	_ =	sdelay $0x3  }
0x36: {  	p1 =	seq.s32 s10, $0x1;
	s10 =	sld [smem:$0x3FBA];
	_ =	sdelay $0x3  }
0x37: {  	[smem:$0x3FBA] =	sst s10  }
0x38: {  	s10 =	sld [smem:$0x3FBB]  }
0x39: {  	_ = 	snop;
	(pc) =	sbr.ind lr, $3  }
0x3a: {  	_ = 	snop  }
0x3b: {  	_ = 	snop  }
0x3c: {  	p2 =	seq.s32 s10, $0x1;
	s10 =	sld [smem:$0x3FBA]  }
0x3d: {  	_ =	shalt  }
0x3e: {  	_ =	shalt  }
0x3f: {  	_ =	shalt  }
0x40: {  	_ =	shalt  }
0x41: {  	_ =	shalt  }
0x42: {  	_ =	shalt  }
0x43: {  	_ =	shalt  }
0x44: {  	_ =	shalt  }
0x45: {  	_ =	shalt  }
0x46: {  	_ =	shalt  }
0x47: {  	_ =	shalt  }
0x48: {  	_ =	shalt  }
0x49: {  	_ =	shalt  }
0x4a: {  	_ =	shalt  }
0x4b: {  	_ =	shalt  }
0x4c: {  	_ =	shalt  }
0x4d: {  	_ =	shalt  }
0x4e: {  	_ =	shalt  }
0x4f: {  	_ =	shalt  }
0x50: {  	_ =	shalt  }
0x51: {  	_ =	shalt  }
0x52: {  	_ =	shalt  }
0x53: {  	_ =	shalt  }
0x54: {  	_ =	shalt  }
0x55: {  	_ =	shalt  }
0x56: {  	_ =	shalt  }
0x57: {  	_ =	shalt  }
0x58: {  	_ =	shalt  }
0x59: {  	_ =	shalt  }
0x5a: {  	_ =	shalt  }
0x5b: {  	_ =	shalt  }
0x5c: {  	_ =	shalt  }
0x5d: {  	_ =	shalt  }
0x5e: {  	_ =	shalt  }
0x5f: {  	_ =	shalt  }
0x60: {  	_ =	shalt  }
0x61: {  	_ =	shalt  }
0x62: {  	_ =	shalt  }
0x63: {  	_ =	shalt  }
0x64: {  	_ =	shalt  }
0x65: {  	_ =	shalt  }
0x66: {  	_ =	shalt  }
0x67: {  	_ =	shalt  }
0x68: {  	_ =	shalt  }
0x69: {  	_ =	shalt  }
0x6a: {  	_ =	shalt  }
0x6b: {  	_ =	shalt  }
0x6c: {  	_ =	shalt  }
0x6d: {  	_ =	shalt  }
0x6e: {  	_ =	shalt  }
0x6f: {  	_ =	shalt  }
0x70: {  	_ =	shalt  }
0x71: {  	_ =	shalt  }
0x72: {  	_ =	shalt  }
0x73: {  	_ =	shalt  }
0x74: {  	_ =	shalt  }
0x75: {  	_ =	shalt  }
0x76: {  	_ =	shalt  }
0x77: {  	_ =	shalt  }
0x78: {  	_ =	shalt  }
0x79: {  	_ =	shalt  }
0x7a: {  	_ =	shalt  }
0x7b: {  	_ =	shalt  }
0x7c: {  	_ =	shalt  }
0x7d: {  	_ =	shalt  }
0x7e: {  	_ =	shalt  }
0x7f: {  	_ =	shalt  }
0x80: {  	_ =	shalt  }
0x81: {  	_ =	shalt  }
0x82: {  	_ =	shalt  }
0x83: {  	_ =	shalt  }
0x84: {  	_ =	shalt  }
0x85: {  	_ =	shalt  }
0x86: {  	_ =	shalt  }
0x87: {  	_ =	shalt  }
.Lfunc_end0:
.L_simem_size_0:
called_computation_lowered:
.L_overlay_start_0:
0x88: {  	s2 =	sld [smem:$0x3FD9]  }
0x89: {  	s3 =	sld [smem:$0x3FFE];
	_ =	sdelay $0x1  }
0x8a: {  	s1 =	srdreg.scid  }
0x8b: {  	s0 =	sand.u32 $0x1, s1  }
0x8c: {  	s17 =	sshll.u32 s0, $0xA;
	s2 =	sadd.s32 s3, s2  }
0x8d: {  	s2 =	sadd.s32 s2, s17  }
0x8e: {  	[smem:$0x3FC6] =	sst s2  }
0x8f: {  	_ = 	snop  }
0x90: {  	s2 =	sld [smem:$0x3FC8]  }
0x91: {  	s18 =	sld [smem:$0x3FD0];
	(tm) =	ssettm $0x1  }
0x92: {  	s4 =	sld [smem:$0x3FFB];
	_ =	sdelay $0x3  }
0x93: {  	_ =	strace s4  }
0x94: {  	s4 =	sld [smem:$0x3FFC];
	_ =	sdelay $0x3  }
0x95: {  	_ =	strace s4  }
0x96: {  	s4 =	sld [smem:$0x3FFD];
	_ =	sdelay $0x3  }
0x97: {  	_ =	strace s4  }
0x98: {  	_ =	strace $0x8FFFFFFF  }
0x99: {  	s19 =	sld [smem:$0x3FDB];
	_ =	sdelay $0x1  }
0x9a: {  	s5 =	simm.s32 $_scs_section_size  }
0x9b: {  	s6 =	simm.s32 $_size__tile_overlayer_lowered;
	s7 =	simm.s32 $_tile_overlayer_lowered  }
0x9c: {  	s22 =	simm.s32 $0x1BFF;
	s21 =	sshll.u32 s7, $0x1;
	s4 =	sadd.s32 s5, s19  }
0x9d: {  	s8 =	simm.s32 $0x0;
	s20 =	sshll.u32 s6, $0x1;
	s6 =	sadd.s32 s21, s4  }
0x9e: {  	[timem:s8], [sflag:s22] =	dma.local [hbm:s6], s20  }
0x9f: {  	_ =	swait.ge [sflag:s22], s20  }
0xa0: {  	s5 =	ssub.s32 $0x0, s20;
	[sflag:s22] =	ssyncset.done $0x0  }
0xa1: {  	[sflag:s22] =	ssyncadd.s32 s5;
	_ =	sdelay $0x1  }
0xa2: {  	s23 =	simm.s32 $0x1B8B  }
0xa3: {  	_ =	swait.ge [sflag:s23], $0x1  }
0xa4: {  	[sflag:s23] =	ssyncset.done $0x0  }
0xa5: {  	s25 =	simm.s32 $0x1B8E;
	s24 =	sld [smem:$0x3FFE];
	[sflag:s23] =	ssyncadd.s32 $0xFFFFFFFF  }
0xa6: {  	s26 =	simm.s32 $execute0_lowered;
	[smem:$0x3FD2] =	sst s25  }
0xa7: {  	s6 =	sshll.u32 s26, $0x1;
	_ =	strace $0x80000046;
	[dreg:$0x1] =	wrdreg $0xFFFFFFFF  }
0xa8: {  	s28 =	simm.s32 $_size_execute0_lowered;
	s4 =	sadd.s32 s4, s6;
	[dreg:$0x0] =	wrdreg $0x0  }
0xa9: {  	s6 =	sshll.u32 s28, $0x1;
	[dreg:$0x2] =	wrdreg s4  }
0xaa: {  	[dreg:$0x3] =	wrdreg s6  }
0xab: {  	[dreg:$0x4] =	wrdreg $0xC0  }
0xac: {  	_ =	task [dreg:s8], $0x5FFFF  }
0xad: {  	[dreg:$0x1] =	wrdreg $0xFFFFFFFF  }
0xae: {  	[dreg:$0x0] =	wrdreg $0x60  }
0xaf: {  	[dreg:$0x2] =	wrdreg s24  }
0xb0: {  	[dreg:$0x3] =	wrdreg s2  }
0xb1: {  	[dreg:$0x4] =	wrdreg s18  }
0xb2: {  	[dreg:$0x5] =	wrdreg $0x9  }
0xb3: {  	_ =	task.clear_ibuf [dreg:s8], $0x6FFFF;
	_ =	strace $0x90000046  }
0xb4: {  	s29 =	simm.s32 $0x9;
	_ =	strace $0x80000048  }
0xb5: {  	_ =	swait.ge [sflag:s29], $0x1  }
0xb6: {  	[sflag:s29] =	ssyncadd.s32 $0xFFFFFFFF  }
0xb7: {  	_ =	strace $0x90000048  }
0xb8: {  	_ =	sfence  }
0xb9: {  	s30 =	sld [smem:$0x0];
	_ =	sdelay $0x2  }
0xba: {  	s31 =	sshll.u32 s1, $0xD;
	s1 =	sshrl.u32 s1, $0x2  }
0xbb: {  	s3 =	sand.u32 $0x4000, s31;
	s1 =	sadd.s32 s1, s30  }
0xbc: {  	s0 =	sor.u32 s3, s0;
	s1 =	sshll.u32 s1, $0x11  }
0xbd: {  	s0 =	sor.u32 s1, s0  }
0xbe: {  	s0 =	sadd.s32 $0x8F2B, s0  }
0xbf: {  	[sflag:s0] =	ssyncadd.remote.s32 $0x1  }
0xc0: {  	_ =	sfence.sel $0xFFFF  }
0xc1: {  	[dreg:$0x0] =	wrdreg $0xFFFFFFFF;
	(pc) =	sbr.abs _section_cstart, $3  }
0xc2: {  	[dreg:$0x1] =	wrdreg $0xFFFFFFFF  }
0xc3: {  	_ =	task.clear_ibuf [dreg:s8], $0x2FFFF;
	_ =	strace $0x9FFFFFFF  }
0xc4: {  	(tm) =	ssettm $0x7FFFFFFF  }
0xc5: {  	_ =	shalt  }
tec
execute0_lowered:
.L_overlay_start_1:
0x0: {  	(tag) =	ssettag $0x1  }
0x1: {  	s0 =	srdreg.scid;
	s1 =	rddreg [dreg:$0x0]  }
0x2: {  	s10 =	stileid.u32;
	s2 =	rddreg [dreg:$0x1]  }
0x3: {  	s6 =	rddreg [dreg:$0x2];
	s12 =	simm.s32 $0x6C00;
	s14 =	simm.s32 $0x7400  }
0x4: {  	s15 =	simm.s32 $0x7C00;
	s17 =	simm.s32 $0x8C00;
	s20 =	simm.s32 $0x9400  }
0x5: {  	s30 =	simm.s32 $0xA400;
	s13 =	simm.s32 $0xBC00;
	s28 =	simm.s32 $0xD400  }
0x6: {  	s16 =	simm.s32 $0x12400;
	s18 =	simm.s32 $0x1;
	s19 =	simm.s32 $0x16400  }
0x7: {  	s0 =	sand.u32 $0x1, s0;
	s3 =	sshll.u32 s10, $0x1;
	s10 =	smul.u32 $0x190, s10  }
0x8: {  	s4 =	sor.u32 s0, s3;
	s8 =	ssub.s32 $0x2, s0;
	s0 =	smul.u32 $0xC8, s0  }
0x9: {  	s29 =	simm.s32 $0x2;
	s31 =	simm.s32 $0x6;
	s5 =	smul.u32 $0xC80, s4  }
0xa: {  	s11 =	simm.s32 $0x0;
	s3 =	simm.s32 $0x0;
	s7 =	smul.u32 $0x64000, s4  }
0xb: {  	[smem:$0x7FF] =	sst s3;
	s4 =	smul.u32 $0x320000, s4;
	s9 =	sshrl.u32 s8, $0x1  }
0xc: {  	_ =	strace $0x80000047;
	s8 =	ssub.s32 s8, s9;
	s0 =	sadd.s32 s0, s10  }
0xd: {  	s9 =	simm.s32 $0xC400;
	s10 =	simm.s32 $0xA;
	[dreg:$0xc] =	wrdreg s11  }
0xe: {  	s1 =	sadd.s32 s5, s1;
	s5 =	sadd.s32 $0x100, s2;
	s21 =	sshrl.u32 s4, $0x3  }
0xf: {  	s22 =	sadd.s32 s6, s7;
	s0 =	sshll.u32 s0, $0xB;
	s26 =	smax.u32 s8, $0x1  }
0x10: {  	s4 =	simm.s32 $0x4;
	s7 =	simm.s32 $0x5;
	[dreg:$0x6] =	wrdreg s22  }
0x11: {  	s8 =	simm.s32 $0x9;
	s1 =	sadd.s32 $0x400, s1;
	[dreg:$0xb] =	wrdreg s26  }
0x12: {  	s0 =	sadd.s32 s0, s6;
	[dreg:$0x5] =	wrdreg s1;
	s1 =	sadd.s32 s6, s21  }
0x13: {  	s26 =	simm.s32 $0x9C00;
	[dreg:$0x4] =	wrdreg s0;
	s23 =	sadd.s32 $0x62000, s1  }
0x14: {  	s22 =	simm.s32 $0xE400;
	s24 =	sadd.s32 $0x62800, s1;
	[dreg:$0x7] =	wrdreg s23  }
0x15: {  	s21 =	simm.s32 $0x8400;
	s25 =	sadd.s32 $0x63000, s1;
	[dreg:$0x8] =	wrdreg s24  }
0x16: {  	v2 =	vlaneseq.u32;
	s0 =	simm.s32 $0x7;
	s1 =	sadd.s32 $0x63800, s1;
	[dreg:$0x9] =	wrdreg s25  }
0x17: {  	vm0 =	vmmov $0xffff;
	v1 =	vshrl.u32 v2, $0x3;
	s6 =	simm.s32 $0x8;
	[dreg:$0xa] =	wrdreg s1;
	s23 =	simm.s32 $0xAC00  }
0x18: {  	v0 =	vand.u32 $0x7, v2;
	v2 =	vor.u32 $0x8, v2;
	v1 =	vmul.u32 $0x8, v1;
	s24 =	simm.s32 $0xB400;
	s25 =	simm.s32 $0xCC00;
	s1 =	simm.s32 $0x3  }
.LBB2_1:
0x19: {  	s11 =	rddreg [dreg:$0x5]  }
0x1a: {  	[tilespmem:s3], [sflag:$0xB] =	stream.linear.gather [hbm4b:s11+s3], $0x6400, $0x38;
	[tilespmem:$0x1A400] =	vst v63  }
0x1b: {  	s11 =	simm.s32 $0xB  }
0x1c: {  	_ =	swait.ge [sflag:s11], $0x6400  }
0x1d: {  	[sflag:s11] =	ssyncset.done $0x0  }
0x1e: {  	[sflag:s11] =	ssyncadd.s32 $0xFFFF9C00  }
0x1f: {  	v3 =	vld [tilespmem:$0x0];
	_ =	sdelay $0x4  }
0x20: {  	v4 =	vshll.u32 v3, $0x2  }
0x21: {  	v3 =	vand.u32 $0x7, v3;
	v4 =	vand.u32 $0xFFFFFFE0, v4  }
0x22: {  	v3 =	vor.u32 v3, v4  }
0x23: {  	v4 =	vperm.xlane v3, v0;
	_ =	sdelay $0x1  }
0x24: {  	v4 =	vadd.s32 v1, v4;
	_ =	sdelay $0x1  }
0x25: {  	v3 =	vperm.xlane v3, v2;
	_ =	sdelay $0x1  }
0x26: {  	s11 =	simm.s32 $0x6400;
	v3 =	vadd.s32 v1, v3  }
0x27: {  	[tilespmem:s11], [sflag:$0x1] =	stream.indirect_vreg.gather [hbm4b:s2+s3], $0x80, v4, vm0, $0xb8;
	[tilespmem:$0x1A400] =	vst v63  }
0x28: {  	_ = 	snop  }
0x29: {  	[tilespmem:s12], [sflag:$0x1] =	stream.indirect_vreg.gather [hbm4b:s5+s3], $0x80, v4, vm0, $0xb8;
	[tilespmem:$0x1A400] =	vst v63  }
0x2a: {  	_ = 	snop  }
0x2b: {  	[tilespmem:s14], [sflag:$0x1] =	stream.indirect_vreg.gather [hbm4b:s2+s3], $0x80, v3, vm0, $0xb8;
	[tilespmem:$0x1A400] =	vst v63  }
0x2c: {  	_ = 	snop  }
0x2d: {  	[tilespmem:s15], [sflag:$0x1] =	stream.indirect_vreg.gather [hbm4b:s5+s3], $0x80, v3, vm0, $0xb8;
	[tilespmem:$0x1A400] =	vst v63  }
0x2e: {  	v3 =	vld [tilespmem:$0x10];
	_ =	sdelay $0x4  }
0x2f: {  	v55 =	vshll.u32 v3, $0x2  }
0x30: {  	v3 =	vand.u32 $0x7, v3;
	v4 =	vand.u32 $0xFFFFFFE0, v55  }
0x31: {  	v3 =	vor.u32 v3, v4  }
0x32: {  	v4 =	vperm.xlane v3, v0;
	_ =	sdelay $0x1  }
0x33: {  	v4 =	vadd.s32 v1, v4;
	_ =	sdelay $0x1  }
0x34: {  	v3 =	vperm.xlane v3, v2;
	_ =	sdelay $0x1  }
0x35: {  	v3 =	vadd.s32 v1, v3  }
0x36: {  	[tilespmem:s21], [sflag:$0x1] =	stream.indirect_vreg.gather [hbm4b:s2+s3], $0x80, v4, vm0, $0xb8;
	[tilespmem:$0x1A400] =	vst v63  }
0x37: {  	_ = 	snop  }
0x38: {  	[tilespmem:s17], [sflag:$0x1] =	stream.indirect_vreg.gather [hbm4b:s5+s3], $0x80, v4, vm0, $0xb8;
	[tilespmem:$0x1A400] =	vst v63  }
0x39: {  	_ = 	snop  }
0x3a: {  	[tilespmem:s20], [sflag:$0x1] =	stream.indirect_vreg.gather [hbm4b:s2+s3], $0x80, v3, vm0, $0xb8;
	[tilespmem:$0x1A400] =	vst v63  }
0x3b: {  	_ = 	snop  }
0x3c: {  	[tilespmem:s26], [sflag:$0x1] =	stream.indirect_vreg.gather [hbm4b:s5+s3], $0x80, v3, vm0, $0xb8;
	[tilespmem:$0x1A400] =	vst v63  }
0x3d: {  	v3 =	vld [tilespmem:$0x80];
	_ =	sdelay $0x4  }
0x3e: {  	v56 =	vshll.u32 v3, $0x2  }
0x3f: {  	v3 =	vand.u32 $0x7, v3;
	v4 =	vand.u32 $0xFFFFFFE0, v56  }
0x40: {  	v3 =	vor.u32 v3, v4  }
0x41: {  	v4 =	vperm.xlane v3, v0;
	_ =	sdelay $0x1  }
0x42: {  	v4 =	vadd.s32 v1, v4;
	_ =	sdelay $0x1  }
0x43: {  	v3 =	vperm.xlane v3, v2;
	_ =	sdelay $0x1  }
0x44: {  	v3 =	vadd.s32 v1, v3  }
0x45: {  	[tilespmem:s30], [sflag:$0x2] =	stream.indirect_vreg.gather [hbm4b:s2+s3], $0x80, v4, vm0, $0xb8;
	[tilespmem:$0x1A400] =	vst v63  }
0x46: {  	_ = 	snop  }
0x47: {  	[tilespmem:s23], [sflag:$0x2] =	stream.indirect_vreg.gather [hbm4b:s5+s3], $0x80, v4, vm0, $0xb8;
	[tilespmem:$0x1A400] =	vst v63  }
0x48: {  	_ = 	snop  }
0x49: {  	[tilespmem:s24], [sflag:$0x2] =	stream.indirect_vreg.gather [hbm4b:s2+s3], $0x80, v3, vm0, $0xb8;
	[tilespmem:$0x1A400] =	vst v63  }
0x4a: {  	_ = 	snop  }
0x4b: {  	[tilespmem:s13], [sflag:$0x2] =	stream.indirect_vreg.gather [hbm4b:s5+s3], $0x80, v3, vm0, $0xb8;
	[tilespmem:$0x1A400] =	vst v63  }
0x4c: {  	v3 =	vld [tilespmem:$0x90];
	_ =	sdelay $0x4  }
0x4d: {  	v57 =	vshll.u32 v3, $0x2  }
0x4e: {  	v3 =	vand.u32 $0x7, v3;
	v4 =	vand.u32 $0xFFFFFFE0, v57  }
0x4f: {  	v3 =	vor.u32 v3, v4  }
0x50: {  	v4 =	vperm.xlane v3, v0;
	_ =	sdelay $0x1  }
0x51: {  	v4 =	vadd.s32 v1, v4;
	_ =	sdelay $0x1  }
0x52: {  	v3 =	vperm.xlane v3, v2;
	_ =	sdelay $0x1  }
0x53: {  	v3 =	vadd.s32 v1, v3  }
0x54: {  	[tilespmem:s9], [sflag:$0x2] =	stream.indirect_vreg.gather [hbm4b:s2+s3], $0x80, v4, vm0, $0xb8;
	[tilespmem:$0x1A400] =	vst v63  }
0x55: {  	_ = 	snop  }
0x56: {  	[tilespmem:s25], [sflag:$0x2] =	stream.indirect_vreg.gather [hbm4b:s5+s3], $0x80, v4, vm0, $0xb8;
	[tilespmem:$0x1A400] =	vst v63  }
0x57: {  	_ = 	snop  }
0x58: {  	[tilespmem:s28], [sflag:$0x2] =	stream.indirect_vreg.gather [hbm4b:s2+s3], $0x80, v3, vm0, $0xb8;
	[tilespmem:$0x1A400] =	vst v63  }
0x59: {  	s21 =	simm.s32 $0xDC00  }
0x5a: {  	[tilespmem:s21], [sflag:$0x2] =	stream.indirect_vreg.gather [hbm4b:s5+s3], $0x80, v3, vm0, $0xb8;
	[tilespmem:$0x1A400] =	vst v63  }
0x5b: {  	v3 =	vld [tilespmem:$0x100];
	_ =	sdelay $0x4  }
0x5c: {  	v58 =	vshll.u32 v3, $0x2  }
0x5d: {  	v3 =	vand.u32 $0x7, v3;
	v4 =	vand.u32 $0xFFFFFFE0, v58  }
0x5e: {  	v3 =	vor.u32 v3, v4  }
0x5f: {  	v4 =	vperm.xlane v3, v0;
	_ =	sdelay $0x1  }
0x60: {  	v4 =	vadd.s32 v1, v4;
	_ =	sdelay $0x1  }
0x61: {  	v3 =	vperm.xlane v3, v2;
	_ =	sdelay $0x1  }
0x62: {  	v3 =	vadd.s32 v1, v3  }
0x63: {  	[tilespmem:s22], [sflag:$0x3] =	stream.indirect_vreg.gather [hbm4b:s2+s3], $0x80, v4, vm0, $0xb8;
	[tilespmem:$0x1A400] =	vst v63  }
0x64: {  	s23 =	simm.s32 $0xEC00  }
0x65: {  	[tilespmem:s23], [sflag:$0x3] =	stream.indirect_vreg.gather [hbm4b:s5+s3], $0x80, v4, vm0, $0xb8;
	[tilespmem:$0x1A400] =	vst v63  }
0x66: {  	s24 =	simm.s32 $0xF400  }
0x67: {  	[tilespmem:s24], [sflag:$0x3] =	stream.indirect_vreg.gather [hbm4b:s2+s3], $0x80, v3, vm0, $0xb8;
	[tilespmem:$0x1A400] =	vst v63  }
0x68: {  	s25 =	simm.s32 $0xFC00  }
0x69: {  	[tilespmem:s25], [sflag:$0x3] =	stream.indirect_vreg.gather [hbm4b:s5+s3], $0x80, v3, vm0, $0xb8;
	[tilespmem:$0x1A400] =	vst v63  }
0x6a: {  	v3 =	vld [tilespmem:$0x110];
	_ =	sdelay $0x4  }
0x6b: {  	v59 =	vshll.u32 v3, $0x2  }
0x6c: {  	v3 =	vand.u32 $0x7, v3;
	v4 =	vand.u32 $0xFFFFFFE0, v59  }
0x6d: {  	v3 =	vor.u32 v3, v4  }
0x6e: {  	v4 =	vperm.xlane v3, v0;
	_ =	sdelay $0x1  }
0x6f: {  	v4 =	vadd.s32 v1, v4;
	_ =	sdelay $0x1  }
0x70: {  	v3 =	vperm.xlane v3, v2;
	_ =	sdelay $0x1  }
0x71: {  	s26 =	simm.s32 $0x10400;
	v3 =	vadd.s32 v1, v3  }
0x72: {  	[tilespmem:s26], [sflag:$0x3] =	stream.indirect_vreg.gather [hbm4b:s2+s3], $0x80, v4, vm0, $0xb8;
	[tilespmem:$0x1A400] =	vst v63  }
0x73: {  	s30 =	simm.s32 $0x10C00  }
0x74: {  	[tilespmem:s30], [sflag:$0x3] =	stream.indirect_vreg.gather [hbm4b:s5+s3], $0x80, v4, vm0, $0xb8;
	[tilespmem:$0x1A400] =	vst v63  }
0x75: {  	s11 =	simm.s32 $0x11400  }
0x76: {  	[tilespmem:s11], [sflag:$0x3] =	stream.indirect_vreg.gather [hbm4b:s2+s3], $0x80, v3, vm0, $0xb8;
	[tilespmem:$0x1A400] =	vst v63  }
0x77: {  	s12 =	simm.s32 $0x11C00  }
0x78: {  	[tilespmem:s12], [sflag:$0x3] =	stream.indirect_vreg.gather [hbm4b:s5+s3], $0x80, v3, vm0, $0xb8;
	[tilespmem:$0x1A400] =	vst v63  }
0x79: {  	v3 =	vld [tilespmem:$0x180];
	_ =	sdelay $0x4  }
0x7a: {  	v60 =	vshll.u32 v3, $0x2  }
0x7b: {  	v3 =	vand.u32 $0x7, v3;
	v4 =	vand.u32 $0xFFFFFFE0, v60  }
0x7c: {  	v3 =	vor.u32 v3, v4  }
0x7d: {  	v4 =	vperm.xlane v3, v0;
	_ =	sdelay $0x1  }
0x7e: {  	v4 =	vadd.s32 v1, v4;
	_ =	sdelay $0x1  }
0x7f: {  	v3 =	vperm.xlane v3, v2;
	_ =	sdelay $0x1  }
0x80: {  	v3 =	vadd.s32 v1, v3  }
0x81: {  	[tilespmem:s16], [sflag:$0x4] =	stream.indirect_vreg.gather [hbm4b:s2+s3], $0x80, v4, vm0, $0xb8;
	[tilespmem:$0x1A400] =	vst v63  }
0x82: {  	s13 =	simm.s32 $0x12C00  }
0x83: {  	[tilespmem:s13], [sflag:$0x4] =	stream.indirect_vreg.gather [hbm4b:s5+s3], $0x80, v4, vm0, $0xb8;
	[tilespmem:$0x1A400] =	vst v63  }
0x84: {  	s14 =	simm.s32 $0x13400  }
0x85: {  	[tilespmem:s14], [sflag:$0x4] =	stream.indirect_vreg.gather [hbm4b:s2+s3], $0x80, v3, vm0, $0xb8;
	[tilespmem:$0x1A400] =	vst v63  }
0x86: {  	s15 =	simm.s32 $0x13C00  }
0x87: {  	[tilespmem:s15], [sflag:$0x4] =	stream.indirect_vreg.gather [hbm4b:s5+s3], $0x80, v3, vm0, $0xb8;
	[tilespmem:$0x1A400] =	vst v63  }
0x88: {  	v3 =	vld [tilespmem:$0x190];
	_ =	sdelay $0x4  }
0x89: {  	v61 =	vshll.u32 v3, $0x2  }
0x8a: {  	v3 =	vand.u32 $0x7, v3;
	v4 =	vand.u32 $0xFFFFFFE0, v61  }
0x8b: {  	v3 =	vor.u32 v3, v4  }
0x8c: {  	v4 =	vperm.xlane v3, v0;
	_ =	sdelay $0x1  }
0x8d: {  	v4 =	vadd.s32 v1, v4;
	_ =	sdelay $0x1  }
0x8e: {  	v3 =	vperm.xlane v3, v2;
	_ =	sdelay $0x1  }
0x8f: {  	s16 =	simm.s32 $0x14400;
	v3 =	vadd.s32 v1, v3  }
0x90: {  	[tilespmem:s16], [sflag:$0x4] =	stream.indirect_vreg.gather [hbm4b:s2+s3], $0x80, v4, vm0, $0xb8;
	[tilespmem:$0x1A400] =	vst v63  }
0x91: {  	s17 =	simm.s32 $0x14C00  }
0x92: {  	[tilespmem:s17], [sflag:$0x4] =	stream.indirect_vreg.gather [hbm4b:s5+s3], $0x80, v4, vm0, $0xb8;
	[tilespmem:$0x1A400] =	vst v63  }
0x93: {  	s20 =	simm.s32 $0x15400  }
0x94: {  	[tilespmem:s20], [sflag:$0x4] =	stream.indirect_vreg.gather [hbm4b:s2+s3], $0x80, v3, vm0, $0xb8;
	[tilespmem:$0x1A400] =	vst v63  }
0x95: {  	s21 =	simm.s32 $0x15C00  }
0x96: {  	[tilespmem:s21], [sflag:$0x4] =	stream.indirect_vreg.gather [hbm4b:s5+s3], $0x80, v3, vm0, $0xb8;
	[tilespmem:$0x1A400] =	vst v63  }
0x97: {  	_ =	swait.ge [sflag:s18], $0x4000  }
0x98: {  	[sflag:s18] =	ssyncset.done $0x0  }
0x99: {  	s23 =	simm.s32 $0x6400;
	s22 =	rddreg [dreg:$0x6];
	[sflag:s18] =	ssyncadd.s32 $0xFFFFC000  }
0x9a: {  	[hbm4b:s22+s3] =	stream.linear.scatter [tilespmem:s23], [sflag:$0x6], $0x4000, $0x38;
	[tilespmem:$0x1A400] =	vst v63  }
0x9b: {  	v3 =	vld [tilespmem:$0x200];
	_ =	sdelay $0x4  }
0x9c: {  	v62 =	vshll.u32 v3, $0x2  }
0x9d: {  	v3 =	vand.u32 $0x7, v3;
	v4 =	vand.u32 $0xFFFFFFE0, v62  }
0x9e: {  	v3 =	vor.u32 v3, v4  }
0x9f: {  	v4 =	vperm.xlane v3, v0;
	_ =	sdelay $0x1  }
0xa0: {  	v4 =	vadd.s32 v1, v4;
	_ =	sdelay $0x1  }
0xa1: {  	v3 =	vperm.xlane v3, v2;
	_ =	sdelay $0x1  }
0xa2: {  	v3 =	vadd.s32 v1, v3  }
0xa3: {  	[tilespmem:s19], [sflag:$0x5] =	stream.indirect_vreg.gather [hbm4b:s2+s3], $0x80, v4, vm0, $0xb8;
	[tilespmem:$0x1A400] =	vst v63  }
0xa4: {  	s24 =	simm.s32 $0x16C00  }
0xa5: {  	[tilespmem:s24], [sflag:$0x5] =	stream.indirect_vreg.gather [hbm4b:s5+s3], $0x80, v4, vm0, $0xb8;
	[tilespmem:$0x1A400] =	vst v63  }
0xa6: {  	s25 =	simm.s32 $0x17400  }
0xa7: {  	[tilespmem:s25], [sflag:$0x5] =	stream.indirect_vreg.gather [hbm4b:s2+s3], $0x80, v3, vm0, $0xb8;
	[tilespmem:$0x1A400] =	vst v63  }
0xa8: {  	s26 =	simm.s32 $0x17C00  }
0xa9: {  	[tilespmem:s26], [sflag:$0x5] =	stream.indirect_vreg.gather [hbm4b:s5+s3], $0x80, v3, vm0, $0xb8;
	[tilespmem:$0x1A400] =	vst v63  }
0xaa: {  	v3 =	vld [tilespmem:$0x210];
	_ =	sdelay $0x4  }
0xab: {  	v63 =	vshll.u32 v3, $0x2  }
0xac: {  	v3 =	vand.u32 $0x7, v3;
	v4 =	vand.u32 $0xFFFFFFE0, v63  }
0xad: {  	v3 =	vor.u32 v3, v4  }
0xae: {  	v4 =	vperm.xlane v3, v0;
	_ =	sdelay $0x1  }
0xaf: {  	v4 =	vadd.s32 v1, v4;
	_ =	sdelay $0x1  }
0xb0: {  	v3 =	vperm.xlane v3, v2;
	_ =	sdelay $0x1  }
0xb1: {  	s28 =	simm.s32 $0xB400;
	s30 =	simm.s32 $0x18400;
	v3 =	vadd.s32 v1, v3  }
0xb2: {  	[tilespmem:s30], [sflag:$0x5] =	stream.indirect_vreg.gather [hbm4b:s2+s3], $0x80, v4, vm0, $0xb8;
	[tilespmem:$0x1A400] =	vst v63  }
0xb3: {  	s11 =	simm.s32 $0x490;
	s12 =	simm.s32 $0x0;
	s17 =	simm.s32 $0x18C00  }
0xb4: {  	[tilespmem:s17], [sflag:$0x5] =	stream.indirect_vreg.gather [hbm4b:s5+s3], $0x80, v4, vm0, $0xb8;
	[tilespmem:$0x1A400] =	vst v63  }
0xb5: {  	s20 =	simm.s32 $0x19C00;
	s21 =	simm.s32 $0x6400;
	s23 =	simm.s32 $0x19400  }
0xb6: {  	[tilespmem:s23], [sflag:$0x5] =	stream.indirect_vreg.gather [hbm4b:s2+s3], $0x80, v3, vm0, $0xb8;
	[tilespmem:$0x1A400] =	vst v63  }
0xb7: {  	s24 =	simm.s32 $0x9400;
	s25 =	simm.s32 $0xD400;
	s26 =	simm.s32 $0xAC00  }
0xb8: {  	[tilespmem:s20], [sflag:$0x5] =	stream.indirect_vreg.gather [hbm4b:s5+s3], $0x80, v3, vm0, $0xb8;
	[tilespmem:$0x1A400] =	vst v63  }
.LBB2_2:
0xb9: {  	_ =	swait.ge [sflag:s29], $0x4000  }
0xba: {  	s14 =	rddreg [dreg:$0x4]  }
0xbb: {  	[sflag:s29] =	ssyncset.done $0x0;
	s14 =	sadd.s32 s12, s14  }
0xbc: {  	s9 =	simm.s32 $0xA400;
	[sflag:s29] =	ssyncadd.s32 $0xFFFFC000;
	s15 =	sadd.s32 $0x800, s14  }
0xbd: {  	[hbm4b:s15+s3] =	stream.linear.scatter [tilespmem:s9], [sflag:$0x7], $0x4000, $0x38;
	[tilespmem:$0x1A400] =	vst v63  }
0xbe: {  	_ =	swait.ge [sflag:s31], $0x4000  }
0xbf: {  	[sflag:s31] =	ssyncset.done $0x0  }
0xc0: {  	[sflag:s31] =	ssyncadd.s32 $0xFFFFC000  }
0xc1: {  	v3 =	vld [tilespmem:s11+$0xFFFFFDF0];
	_ =	sdelay $0x4  }
0xc2: {  	v4 =	vshll.u32 v3, $0x2  }
0xc3: {  	v3 =	vand.u32 $0x7, v3;
	v4 =	vand.u32 $0xFFFFFFE0, v4  }
0xc4: {  	v3 =	vor.u32 v3, v4  }
0xc5: {  	v4 =	vperm.xlane v3, v0;
	_ =	sdelay $0x1  }
0xc6: {  	v4 =	vadd.s32 v1, v4;
	_ =	sdelay $0x1  }
0xc7: {  	v3 =	vperm.xlane v3, v2;
	_ =	sdelay $0x1  }
0xc8: {  	v3 =	vadd.s32 v1, v3  }
0xc9: {  	[tilespmem:s21], [sflag:$0x1] =	stream.indirect_vreg.gather [hbm4b:s2+s3], $0x80, v4, vm0, $0xb8;
	[tilespmem:$0x1A400] =	vst v63  }
0xca: {  	s13 =	simm.s32 $0x6C00  }
0xcb: {  	[tilespmem:s13], [sflag:$0x1] =	stream.indirect_vreg.gather [hbm4b:s5+s3], $0x80, v4, vm0, $0xb8;
	[tilespmem:$0x1A400] =	vst v63  }
0xcc: {  	s16 =	simm.s32 $0x7400  }
0xcd: {  	[tilespmem:s16], [sflag:$0x1] =	stream.indirect_vreg.gather [hbm4b:s2+s3], $0x80, v3, vm0, $0xb8;
	[tilespmem:$0x1A400] =	vst v63  }
0xce: {  	s22 =	simm.s32 $0x7C00  }
0xcf: {  	[tilespmem:s22], [sflag:$0x1] =	stream.indirect_vreg.gather [hbm4b:s5+s3], $0x80, v3, vm0, $0xb8;
	[tilespmem:$0x1A400] =	vst v63  }
0xd0: {  	v3 =	vld [tilespmem:s11+$0xFFFFFE00];
	_ =	sdelay $0x4  }
0xd1: {  	v55 =	vshll.u32 v3, $0x2  }
0xd2: {  	v3 =	vand.u32 $0x7, v3;
	v4 =	vand.u32 $0xFFFFFFE0, v55  }
0xd3: {  	v3 =	vor.u32 v3, v4  }
0xd4: {  	v4 =	vperm.xlane v3, v0;
	_ =	sdelay $0x1  }
0xd5: {  	v4 =	vadd.s32 v1, v4;
	_ =	sdelay $0x1  }
0xd6: {  	v3 =	vperm.xlane v3, v2;
	_ =	sdelay $0x1  }
0xd7: {  	s15 =	simm.s32 $0x8400;
	v3 =	vadd.s32 v1, v3  }
0xd8: {  	[tilespmem:s15], [sflag:$0x1] =	stream.indirect_vreg.gather [hbm4b:s2+s3], $0x80, v4, vm0, $0xb8;
	[tilespmem:$0x1A400] =	vst v63  }
0xd9: {  	s16 =	simm.s32 $0x8C00  }
0xda: {  	[tilespmem:s16], [sflag:$0x1] =	stream.indirect_vreg.gather [hbm4b:s5+s3], $0x80, v4, vm0, $0xb8;
	[tilespmem:$0x1A400] =	vst v63  }
0xdb: {  	_ = 	snop  }
0xdc: {  	[tilespmem:s24], [sflag:$0x1] =	stream.indirect_vreg.gather [hbm4b:s2+s3], $0x80, v3, vm0, $0xb8;
	[tilespmem:$0x1A400] =	vst v63  }
0xdd: {  	s22 =	simm.s32 $0x9C00  }
0xde: {  	[tilespmem:s22], [sflag:$0x1] =	stream.indirect_vreg.gather [hbm4b:s5+s3], $0x80, v3, vm0, $0xb8;
	[tilespmem:$0x1A400] =	vst v63  }
0xdf: {  	_ =	swait.ge [sflag:s1], $0x4000  }
0xe0: {  	[sflag:s1] =	ssyncset.done $0x0  }
0xe1: {  	s13 =	sadd.s32 $0x1000, s14;
	s16 =	simm.s32 $0xE400;
	[sflag:s1] =	ssyncadd.s32 $0xFFFFC000  }
0xe2: {  	[hbm4b:s13+s3] =	stream.linear.scatter [tilespmem:s16], [sflag:$0x8], $0x4000, $0x38;
	[tilespmem:$0x1A400] =	vst v63  }
0xe3: {  	_ =	swait.ge [sflag:s0], $0x4000  }
0xe4: {  	[sflag:s0] =	ssyncset.done $0x0  }
0xe5: {  	[sflag:s0] =	ssyncadd.s32 $0xFFFFC000  }
0xe6: {  	v3 =	vld [tilespmem:s11+$0xFFFFFE70];
	_ =	sdelay $0x4  }
0xe7: {  	v56 =	vshll.u32 v3, $0x2  }
0xe8: {  	v3 =	vand.u32 $0x7, v3;
	v4 =	vand.u32 $0xFFFFFFE0, v56  }
0xe9: {  	v3 =	vor.u32 v3, v4  }
0xea: {  	v4 =	vperm.xlane v3, v0;
	_ =	sdelay $0x1  }
0xeb: {  	v4 =	vadd.s32 v1, v4;
	_ =	sdelay $0x1  }
0xec: {  	v3 =	vperm.xlane v3, v2;
	_ =	sdelay $0x1  }
0xed: {  	v3 =	vadd.s32 v1, v3  }
0xee: {  	[tilespmem:s9], [sflag:$0x2] =	stream.indirect_vreg.gather [hbm4b:s2+s3], $0x80, v4, vm0, $0xb8;
	[tilespmem:$0x1A400] =	vst v63  }
0xef: {  	_ = 	snop  }
0xf0: {  	[tilespmem:s26], [sflag:$0x2] =	stream.indirect_vreg.gather [hbm4b:s5+s3], $0x80, v4, vm0, $0xb8;
	[tilespmem:$0x1A400] =	vst v63  }
0xf1: {  	_ = 	snop  }
0xf2: {  	[tilespmem:s28], [sflag:$0x2] =	stream.indirect_vreg.gather [hbm4b:s2+s3], $0x80, v3, vm0, $0xb8;
	[tilespmem:$0x1A400] =	vst v63  }
0xf3: {  	s15 =	simm.s32 $0xBC00  }
0xf4: {  	[tilespmem:s15], [sflag:$0x2] =	stream.indirect_vreg.gather [hbm4b:s5+s3], $0x80, v3, vm0, $0xb8;
	[tilespmem:$0x1A400] =	vst v63  }
0xf5: {  	v3 =	vld [tilespmem:s11+$0xFFFFFE80];
	_ =	sdelay $0x4  }
0xf6: {  	v57 =	vshll.u32 v3, $0x2  }
0xf7: {  	v3 =	vand.u32 $0x7, v3;
	v4 =	vand.u32 $0xFFFFFFE0, v57  }
0xf8: {  	v3 =	vor.u32 v3, v4  }
0xf9: {  	v4 =	vperm.xlane v3, v0;
	_ =	sdelay $0x1  }
0xfa: {  	v4 =	vadd.s32 v1, v4;
	_ =	sdelay $0x1  }
0xfb: {  	v3 =	vperm.xlane v3, v2;
	_ =	sdelay $0x1  }
0xfc: {  	s9 =	simm.s32 $0xC400;
	v3 =	vadd.s32 v1, v3  }
0xfd: {  	[tilespmem:s9], [sflag:$0x2] =	stream.indirect_vreg.gather [hbm4b:s2+s3], $0x80, v4, vm0, $0xb8;
	[tilespmem:$0x1A400] =	vst v63  }
0xfe: {  	s22 =	simm.s32 $0xCC00  }
0xff: {  	[tilespmem:s22], [sflag:$0x2] =	stream.indirect_vreg.gather [hbm4b:s5+s3], $0x80, v4, vm0, $0xb8;
	[tilespmem:$0x1A400] =	vst v63  }
0x100: {  	_ = 	snop  }
0x101: {  	[tilespmem:s25], [sflag:$0x2] =	stream.indirect_vreg.gather [hbm4b:s2+s3], $0x80, v3, vm0, $0xb8;
	[tilespmem:$0x1A400] =	vst v63  }
0x102: {  	s15 =	simm.s32 $0xDC00  }
0x103: {  	[tilespmem:s15], [sflag:$0x2] =	stream.indirect_vreg.gather [hbm4b:s5+s3], $0x80, v3, vm0, $0xb8;
	[tilespmem:$0x1A400] =	vst v63  }
0x104: {  	_ =	swait.ge [sflag:s4], $0x4000  }
0x105: {  	[sflag:s4] =	ssyncset.done $0x0  }
0x106: {  	s13 =	simm.s32 $0x12400;
	s22 =	sadd.s32 $0x1800, s14;
	[sflag:s4] =	ssyncadd.s32 $0xFFFFC000  }
0x107: {  	[hbm4b:s22+s3] =	stream.linear.scatter [tilespmem:s13], [sflag:$0x9], $0x4000, $0x38;
	[tilespmem:$0x1A400] =	vst v63  }
0x108: {  	_ =	swait.ge [sflag:s6], $0x4000  }
0x109: {  	[sflag:s6] =	ssyncset.done $0x0  }
0x10a: {  	[sflag:s6] =	ssyncadd.s32 $0xFFFFC000  }
0x10b: {  	v3 =	vld [tilespmem:s11+$0xFFFFFEF0];
	_ =	sdelay $0x4  }
0x10c: {  	v58 =	vshll.u32 v3, $0x2  }
0x10d: {  	v3 =	vand.u32 $0x7, v3;
	v4 =	vand.u32 $0xFFFFFFE0, v58  }
0x10e: {  	v3 =	vor.u32 v3, v4  }
0x10f: {  	v4 =	vperm.xlane v3, v0;
	_ =	sdelay $0x1  }
0x110: {  	v4 =	vadd.s32 v1, v4;
	_ =	sdelay $0x1  }
0x111: {  	v3 =	vperm.xlane v3, v2;
	_ =	sdelay $0x1  }
0x112: {  	v3 =	vadd.s32 v1, v3  }
0x113: {  	[tilespmem:s16], [sflag:$0x3] =	stream.indirect_vreg.gather [hbm4b:s2+s3], $0x80, v4, vm0, $0xb8;
	[tilespmem:$0x1A400] =	vst v63  }
0x114: {  	s16 =	simm.s32 $0xEC00  }
0x115: {  	[tilespmem:s16], [sflag:$0x3] =	stream.indirect_vreg.gather [hbm4b:s5+s3], $0x80, v4, vm0, $0xb8;
	[tilespmem:$0x1A400] =	vst v63  }
0x116: {  	s16 =	simm.s32 $0xF400  }
0x117: {  	[tilespmem:s16], [sflag:$0x3] =	stream.indirect_vreg.gather [hbm4b:s2+s3], $0x80, v3, vm0, $0xb8;
	[tilespmem:$0x1A400] =	vst v63  }
0x118: {  	s16 =	simm.s32 $0xFC00  }
0x119: {  	[tilespmem:s16], [sflag:$0x3] =	stream.indirect_vreg.gather [hbm4b:s5+s3], $0x80, v3, vm0, $0xb8;
	[tilespmem:$0x1A400] =	vst v63  }
0x11a: {  	v3 =	vld [tilespmem:s11+$0xFFFFFF00];
	_ =	sdelay $0x4  }
0x11b: {  	v59 =	vshll.u32 v3, $0x2  }
0x11c: {  	v3 =	vand.u32 $0x7, v3;
	v4 =	vand.u32 $0xFFFFFFE0, v59  }
0x11d: {  	v3 =	vor.u32 v3, v4  }
0x11e: {  	v4 =	vperm.xlane v3, v0;
	_ =	sdelay $0x1  }
0x11f: {  	v4 =	vadd.s32 v1, v4;
	_ =	sdelay $0x1  }
0x120: {  	v3 =	vperm.xlane v3, v2;
	_ =	sdelay $0x1  }
0x121: {  	s16 =	simm.s32 $0x10400;
	v3 =	vadd.s32 v1, v3  }
0x122: {  	[tilespmem:s16], [sflag:$0x3] =	stream.indirect_vreg.gather [hbm4b:s2+s3], $0x80, v4, vm0, $0xb8;
	[tilespmem:$0x1A400] =	vst v63  }
0x123: {  	s16 =	simm.s32 $0x10C00  }
0x124: {  	[tilespmem:s16], [sflag:$0x3] =	stream.indirect_vreg.gather [hbm4b:s5+s3], $0x80, v4, vm0, $0xb8;
	[tilespmem:$0x1A400] =	vst v63  }
0x125: {  	s16 =	simm.s32 $0x11400  }
0x126: {  	[tilespmem:s16], [sflag:$0x3] =	stream.indirect_vreg.gather [hbm4b:s2+s3], $0x80, v3, vm0, $0xb8;
	[tilespmem:$0x1A400] =	vst v63  }
0x127: {  	s16 =	simm.s32 $0x11C00  }
0x128: {  	[tilespmem:s16], [sflag:$0x3] =	stream.indirect_vreg.gather [hbm4b:s5+s3], $0x80, v3, vm0, $0xb8;
	[tilespmem:$0x1A400] =	vst v63  }
0x129: {  	_ =	swait.ge [sflag:s7], $0x4000  }
0x12a: {  	[sflag:s7] =	ssyncset.done $0x0  }
0x12b: {  	s16 =	sadd.s32 $0x2000, s14;
	[sflag:s7] =	ssyncadd.s32 $0xFFFFC000  }
0x12c: {  	[hbm4b:s16+s3] =	stream.linear.scatter [tilespmem:s19], [sflag:$0xA], $0x4000, $0x38;
	[tilespmem:$0x1A400] =	vst v63  }
0x12d: {  	_ =	swait.ge [sflag:s8], $0x4000  }
0x12e: {  	[sflag:s8] =	ssyncset.done $0x0  }
0x12f: {  	[sflag:s8] =	ssyncadd.s32 $0xFFFFC000  }
0x130: {  	v3 =	vld [tilespmem:s11+$0xFFFFFF70];
	_ =	sdelay $0x4  }
0x131: {  	v60 =	vshll.u32 v3, $0x2  }
0x132: {  	v3 =	vand.u32 $0x7, v3;
	v4 =	vand.u32 $0xFFFFFFE0, v60  }
0x133: {  	v3 =	vor.u32 v3, v4  }
0x134: {  	v4 =	vperm.xlane v3, v0;
	_ =	sdelay $0x1  }
0x135: {  	v4 =	vadd.s32 v1, v4;
	_ =	sdelay $0x1  }
0x136: {  	v3 =	vperm.xlane v3, v2;
	_ =	sdelay $0x1  }
0x137: {  	v3 =	vadd.s32 v1, v3  }
0x138: {  	[tilespmem:s13], [sflag:$0x4] =	stream.indirect_vreg.gather [hbm4b:s2+s3], $0x80, v4, vm0, $0xb8;
	[tilespmem:$0x1A400] =	vst v63  }
0x139: {  	s15 =	simm.s32 $0x12C00  }
0x13a: {  	[tilespmem:s15], [sflag:$0x4] =	stream.indirect_vreg.gather [hbm4b:s5+s3], $0x80, v4, vm0, $0xb8;
	[tilespmem:$0x1A400] =	vst v63  }
0x13b: {  	s15 =	simm.s32 $0x13400  }
0x13c: {  	[tilespmem:s15], [sflag:$0x4] =	stream.indirect_vreg.gather [hbm4b:s2+s3], $0x80, v3, vm0, $0xb8;
	[tilespmem:$0x1A400] =	vst v63  }
0x13d: {  	s15 =	simm.s32 $0x13C00  }
0x13e: {  	[tilespmem:s15], [sflag:$0x4] =	stream.indirect_vreg.gather [hbm4b:s5+s3], $0x80, v3, vm0, $0xb8;
	[tilespmem:$0x1A400] =	vst v63  }
0x13f: {  	v3 =	vld [tilespmem:s11+$0xFFFFFF80];
	_ =	sdelay $0x4  }
0x140: {  	v61 =	vshll.u32 v3, $0x2  }
0x141: {  	v3 =	vand.u32 $0x7, v3;
	v4 =	vand.u32 $0xFFFFFFE0, v61  }
0x142: {  	v3 =	vor.u32 v3, v4  }
0x143: {  	v4 =	vperm.xlane v3, v0;
	_ =	sdelay $0x1  }
0x144: {  	v4 =	vadd.s32 v1, v4;
	_ =	sdelay $0x1  }
0x145: {  	v3 =	vperm.xlane v3, v2;
	_ =	sdelay $0x1  }
0x146: {  	s15 =	simm.s32 $0x14400;
	v3 =	vadd.s32 v1, v3  }
0x147: {  	[tilespmem:s15], [sflag:$0x4] =	stream.indirect_vreg.gather [hbm4b:s2+s3], $0x80, v4, vm0, $0xb8;
	[tilespmem:$0x1A400] =	vst v63  }
0x148: {  	s15 =	simm.s32 $0x14C00  }
0x149: {  	[tilespmem:s15], [sflag:$0x4] =	stream.indirect_vreg.gather [hbm4b:s5+s3], $0x80, v4, vm0, $0xb8;
	[tilespmem:$0x1A400] =	vst v63  }
0x14a: {  	s15 =	simm.s32 $0x15400  }
0x14b: {  	[tilespmem:s15], [sflag:$0x4] =	stream.indirect_vreg.gather [hbm4b:s2+s3], $0x80, v3, vm0, $0xb8;
	[tilespmem:$0x1A400] =	vst v63  }
0x14c: {  	s15 =	simm.s32 $0x15C00  }
0x14d: {  	[tilespmem:s15], [sflag:$0x4] =	stream.indirect_vreg.gather [hbm4b:s5+s3], $0x80, v3, vm0, $0xb8;
	[tilespmem:$0x1A400] =	vst v63  }
0x14e: {  	_ =	swait.ge [sflag:s18], $0x4000  }
0x14f: {  	[sflag:s18] =	ssyncset.done $0x0  }
0x150: {  	s14 =	sadd.s32 $0x2800, s14;
	[sflag:s18] =	ssyncadd.s32 $0xFFFFC000  }
0x151: {  	[hbm4b:s14+s3] =	stream.linear.scatter [tilespmem:s21], [sflag:$0x6], $0x4000, $0x38;
	[tilespmem:$0x1A400] =	vst v63  }
0x152: {  	_ =	swait.ge [sflag:s10], $0x4000  }
0x153: {  	[sflag:s10] =	ssyncset.done $0x0  }
0x154: {  	[sflag:s10] =	ssyncadd.s32 $0xFFFFC000  }
0x155: {  	v3 =	vld [tilespmem:s11+$0xFFFFFFF0];
	_ =	sdelay $0x4  }
0x156: {  	v62 =	vshll.u32 v3, $0x2  }
0x157: {  	v3 =	vand.u32 $0x7, v3;
	v4 =	vand.u32 $0xFFFFFFE0, v62  }
0x158: {  	v3 =	vor.u32 v3, v4  }
0x159: {  	v4 =	vperm.xlane v3, v0;
	_ =	sdelay $0x1  }
0x15a: {  	v4 =	vadd.s32 v1, v4;
	_ =	sdelay $0x1  }
0x15b: {  	v3 =	vperm.xlane v3, v2;
	_ =	sdelay $0x1  }
0x15c: {  	v3 =	vadd.s32 v1, v3  }
0x15d: {  	[tilespmem:s19], [sflag:$0x5] =	stream.indirect_vreg.gather [hbm4b:s2+s3], $0x80, v4, vm0, $0xb8;
	[tilespmem:$0x1A400] =	vst v63  }
0x15e: {  	s14 =	simm.s32 $0x16C00  }
0x15f: {  	[tilespmem:s14], [sflag:$0x5] =	stream.indirect_vreg.gather [hbm4b:s5+s3], $0x80, v4, vm0, $0xb8;
	[tilespmem:$0x1A400] =	vst v63  }
0x160: {  	s15 =	simm.s32 $0x17400  }
0x161: {  	[tilespmem:s15], [sflag:$0x5] =	stream.indirect_vreg.gather [hbm4b:s2+s3], $0x80, v3, vm0, $0xb8;
	[tilespmem:$0x1A400] =	vst v63  }
0x162: {  	s14 =	simm.s32 $0x17C00  }
0x163: {  	[tilespmem:s14], [sflag:$0x5] =	stream.indirect_vreg.gather [hbm4b:s5+s3], $0x80, v3, vm0, $0xb8;
	[tilespmem:$0x1A400] =	vst v63  }
0x164: {  	v3 =	vld [tilespmem:s11+$0x0];
	_ =	sdelay $0x4  }
0x165: {  	v63 =	vshll.u32 v3, $0x2  }
0x166: {  	v3 =	vand.u32 $0x7, v3;
	v4 =	vand.u32 $0xFFFFFFE0, v63  }
0x167: {  	v3 =	vor.u32 v3, v4  }
0x168: {  	v4 =	vperm.xlane v3, v0;
	_ =	sdelay $0x1  }
0x169: {  	v4 =	vadd.s32 v1, v4;
	_ =	sdelay $0x2  }
0x16a: {  	v3 =	vperm.xlane v3, v2  }
0x16b: {  	s15 =	simm.s32 $0x18400  }
0x16c: {  	v3 =	vadd.s32 v1, v3;
	[tilespmem:s15], [sflag:$0x5] =	stream.indirect_vreg.gather [hbm4b:s2+s3], $0x80, v4, vm0, $0xb8;
	[tilespmem:$0x1A400] =	vst v63  }
0x16d: {  	p0 =	sne.s32 s12, $0x5F000  }
0x16e: {  	[tilespmem:s17], [sflag:$0x5] =	stream.indirect_vreg.gather [hbm4b:s5+s3], $0x80, v4, vm0, $0xb8;
	[tilespmem:$0x1A400] =	vst v63  }
.Ltmp0:
0x16f: {  	_ = 	snop;
	(pc) =	sbr.rel @p0 .LBB2_2-.Ltmp0, $4  }
0x170: {  	s30 =	simm.s32 $0xA400;
	s12 =	sadd.s32 $0x2800, s12  }
0x171: {  	[tilespmem:s23], [sflag:$0x5] =	stream.indirect_vreg.gather [hbm4b:s2+s3], $0x80, v3, vm0, $0xb8;
	[tilespmem:$0x1A400] =	vst v63  }
0x172: {  	s22 =	simm.s32 $0xE400;
	s16 =	simm.s32 $0x12400;
	s11 =	sadd.s32 $0x280, s11  }
0x173: {  	[tilespmem:s20], [sflag:$0x5] =	stream.indirect_vreg.gather [hbm4b:s5+s3], $0x80, v3, vm0, $0xb8;
	[tilespmem:$0x1A400] =	vst v63  }
0x174: {  	_ =	swait.ge [sflag:s29], $0x4000  }
0x175: {  	[sflag:s29] =	ssyncset.done $0x0  }
0x176: {  	s11 =	rddreg [dreg:$0x7];
	[sflag:s29] =	ssyncadd.s32 $0xFFFFC000  }
0x177: {  	[hbm4b:s11+s3] =	stream.linear.scatter [tilespmem:s30], [sflag:$0x7], $0x4000, $0x38;
	[tilespmem:$0x1A400] =	vst v63  }
0x178: {  	_ =	swait.ge [sflag:s1], $0x4000  }
0x179: {  	[sflag:s1] =	ssyncset.done $0x0  }
0x17a: {  	s23 =	rddreg [dreg:$0x8];
	[sflag:s1] =	ssyncadd.s32 $0xFFFFC000  }
0x17b: {  	[hbm4b:s23+s3] =	stream.linear.scatter [tilespmem:s22], [sflag:$0x8], $0x4000, $0x38;
	[tilespmem:$0x1A400] =	vst v63  }
0x17c: {  	_ =	swait.ge [sflag:s4], $0x4000  }
0x17d: {  	[sflag:s4] =	ssyncset.done $0x0  }
0x17e: {  	s24 =	rddreg [dreg:$0x9];
	[sflag:s4] =	ssyncadd.s32 $0xFFFFC000  }
0x17f: {  	[hbm4b:s24+s3] =	stream.linear.scatter [tilespmem:s16], [sflag:$0x9], $0x4000, $0x38;
	[tilespmem:$0x1A400] =	vst v63  }
0x180: {  	_ =	swait.ge [sflag:s7], $0x4000  }
0x181: {  	[sflag:s7] =	ssyncset.done $0x0  }
0x182: {  	s25 =	rddreg [dreg:$0xa];
	[sflag:s7] =	ssyncadd.s32 $0xFFFFC000  }
0x183: {  	[hbm4b:s25+s3] =	stream.linear.scatter [tilespmem:s19], [sflag:$0xA], $0x4000, $0x38;
	[tilespmem:$0x1A400] =	vst v63  }
0x184: {  	_ =	swait.ge [sflag:s31], $0x4000  }
0x185: {  	[sflag:s31] =	ssyncset.done $0x0  }
0x186: {  	[sflag:s31] =	ssyncadd.s32 $0xFFFFC000  }
0x187: {  	_ =	swait.ge [sflag:s0], $0x4000  }
0x188: {  	[sflag:s0] =	ssyncset.done $0x0  }
0x189: {  	[sflag:s0] =	ssyncadd.s32 $0xFFFFC000  }
0x18a: {  	_ =	swait.ge [sflag:s6], $0x4000  }
0x18b: {  	[sflag:s6] =	ssyncset.done $0x0  }
0x18c: {  	[sflag:s6] =	ssyncadd.s32 $0xFFFFC000  }
0x18d: {  	_ =	swait.ge [sflag:s8], $0x4000  }
0x18e: {  	[sflag:s8] =	ssyncset.done $0x0  }
0x18f: {  	[sflag:s8] =	ssyncadd.s32 $0xFFFFC000  }
0x190: {  	_ =	swait.ge [sflag:s10], $0x4000  }
0x191: {  	s12 =	rddreg [dreg:$0xc]  }
0x192: {  	s26 =	rddreg [dreg:$0xb];
	s12 =	sadd.s32 $0x1, s12  }
0x193: {  	s14 =	simm.s32 $0x7400;
	p0 =	sne.s32 s12, s26  }
.Ltmp1:
0x194: {  	s15 =	simm.s32 $0x7C00;
	s21 =	simm.s32 $0x8400;
	(pc) =	sbr.rel @p0 .LBB2_1-.Ltmp1, $4  }
0x195: {  	s17 =	simm.s32 $0x8C00;
	s20 =	simm.s32 $0x9400;
	s13 =	simm.s32 $0xBC00  }
0x196: {  	s28 =	simm.s32 $0xD400;
	s23 =	simm.s32 $0xAC00;
	[sflag:s10] =	ssyncset.done $0x0  }
0x197: {  	s24 =	simm.s32 $0xB400;
	s25 =	simm.s32 $0xCC00;
	[sflag:s10] =	ssyncadd.s32 $0xFFFFC000  }
0x198: {  	[dreg:$0xc] =	wrdreg s12;
	s12 =	simm.s32 $0x6C00;
	s26 =	simm.s32 $0x9C00  }
0x199: {  	_ =	sfence.sel $0x180000  }
0x19a: {  	[bflag:$0x0] =	sbarrier.arrive $0xFFFF  }
0x19b: {  	_ =	strace $0x90000047  }
0x19c: {  	s0 =	stileid.u32;
	[bflag:$0x2] =	sbarrier.arrive $0xFFFF  }
0x19d: {  	p0 =	sne.s32 s0, $0x0;
	s0 =	rddreg [dreg:$0x3]  }
0x19e: {  	s0 =	sadd.s32 @!p0 $0x100000, s0  }
0x19f: {  	[sflag:s0] =	ssyncadd.tile.s32 @!p0 $0x1;
	_ =	shalt  }
.Lfunc_end2:
_tile_overlayer_lowered:
.L_overlay_start_2:
0x1a0: {  	(tag) =	ssettag $0x2  }
0x1a1: {  	s0 =	rddreg [dreg:$0x0];
	s2 =	stileid.u32  }
0x1a2: {  	s1 =	rddreg [dreg:$0x1];
	p0 =	sne.s32 s2, $0x0  }
0x1a3: {  	s3 =	rddreg [dreg:$0x2];
	[bflag:$0x3] =	sbarrier.arrive $0xFFFF;
	s2 =	simm.s32 @!p0 $0x1C0B  }
0x1a4: {  	[timem:s3], [sflag:s2] =	dma.local @!p0 [hbm:s0], s1  }
0x1a5: {  	s0 =	simm.s32 @!p0 $0xB  }
0x1a6: {  	_ =	swait.ge @!p0 [sflag:s0], s1  }
0x1a7: {  	s1 =	ssub.s32 @!p0 $0x0, s1;
	[sflag:s0] =	ssyncset.done @!p0 $0x0  }
0x1a8: {  	[sflag:s0] =	ssyncadd.s32 @!p0 s1  }
0x1a9: {  	[bflag:$0x3] =	sbarrier.arrive $0xFFFF  }
0x1aa: {  	_ =	shalt  }

</sc_bundles>
